<compile_context>
chip_gen: v7x
topology: tpu7x:2x2x1
jax: 0.10.2.dev20260603
libtpu: 0.0.44.dev20260713+nightly
codegen_flags: <defaults>
</compile_context>

<pallas_src>
import math
import numpy as np
import jax
import jax.numpy as jnp
from jax import lax
from jax.experimental import pallas as pl
from jax.experimental.pallas import tpu as pltpu
from jax.experimental.pallas import tpu_sc as plsc

IMG_H, IMG_W = 360, 640
S = 72
STRIDE = 8
FMAP_H, FMAP_W = IMG_H // STRIDE, IMG_W // STRIDE
IN_CH = 256
FEAT_CH = 64
B = 8
NOUT = 80
HP = FMAP_H + 1
ROWS_PER_B = HP * FMAP_W
_LEFT = [72., 60., 49., 39., 30., 22.]
_RIGHT = [108., 120., 131., 141., 150., 158.]
_BOTTOM = [165., 150., 141., 131., 120., 108., 100., 90., 80., 72., 60., 49., 39., 30., 15.]


def _mk_anchor(start, angle_deg, cut):
    n = FMAP_H if cut else S
    anchor_ys = np.linspace(1.0, 0.0, n, dtype=np.float64)
    a = np.zeros(2 + 2 + 1 + n, dtype=np.float32)
    angle = angle_deg * math.pi / 180.0
    sx, sy = start
    a[2] = 1.0 - sy
    a[3] = sx
    a[5:] = (sx + (1.0 - anchor_ys - 1.0 + sy) / math.tan(angle)) * IMG_W
    return a


def _mk_side(angles, nb, x=None, y=None):
    if x is None:
        starts = [(vx, y) for vx in np.linspace(1.0, 0.0, nb)]
    else:
        starts = [(x, vy) for vy in np.linspace(1.0, 0.0, nb)]
    anchors, cuts = [], []
    for s in starts:
        for ang in angles:
            anchors.append(_mk_anchor(s, ang, False))
            cuts.append(_mk_anchor(s, ang, True))
    return np.stack(anchors), np.stack(cuts)


def _geometry():
    la, lc = _mk_side(_LEFT, 72, x=0.0)
    ra, rc = _mk_side(_RIGHT, 72, x=1.0)
    ba, bc = _mk_side(_BOTTOM, 128, y=1.0)
    anchors = np.concatenate([la, ba, ra], axis=0)
    cuts = np.concatenate([lc, bc, rc], axis=0)
    xs_uncl = np.flip(np.round(cuts[:, 5:] / STRIDE), axis=1).astype(np.int64)
    cut_xs = np.clip(xs_uncl, 0, FMAP_W - 1)
    invalid = (xs_uncl < 0) | (xs_uncl > FMAP_W)
    return anchors, cut_xs, invalid


_ANCHORS_NP, _CUT_XS_NP, _INVALID_NP = _geometry()
N_ANCH = _ANCHORS_NP.shape[0]
TOTAL_ROWS = B * N_ANCH

NTILES = 32
TPB = 4
PT = N_ANCH // TPB
HPG = 5
NG_SC = 1
H_SC = NG_SC * HPG
N_TC = FMAP_H - H_SC
SLAB_R = HPG * FMAP_W
ZROW = SLAB_R
OG = 44
ACC_R = OG * 16
KU = 8
NOUTP = 81
ANCHOR_BASE = B * ROWS_PER_B
N_ANCH_PAD = ACC_R * TPB
TABLE_ROWS = ANCHOR_BASE


def _build_idx():
    idx = np.full((TPB, NG_SC, OG, HPG, 16), ZROW, dtype=np.int32)
    for tm in range(TPB):
        for g in range(NG_SC):
            for og in range(OG):
                p = tm * PT + og * 16 + np.arange(16)
                live = p < (tm + 1) * PT
                pc = np.minimum(p, N_ANCH - 1)
                for hl in range(HPG):
                    h = g * HPG + hl
                    r = hl * FMAP_W + _CUT_XS_NP[pc, h]
                    r = np.where(live & ~_INVALID_NP[pc, h], r, ZROW)
                    idx[tm, g, og, hl] = r
    return idx


_IDX_NP = _build_idx()

_ANCH_TILED_NP = np.zeros((TPB, ACC_R, NOUT), dtype=np.float32)
for _tm in range(TPB):
    _lo = _tm * PT
    _n = min(ACC_R, N_ANCH - _lo)
    _ANCH_TILED_NP[_tm, :_n, 2:77] = _ANCHORS_NP[_lo:_lo + _n, 2:]

_G_NP = np.zeros((N_TC * FMAP_W, N_ANCH_PAD), dtype=np.float32)
for _j in range(N_TC):
    _h = H_SC + _j
    _p = np.nonzero(~_INVALID_NP[:, _h])[0]
    _G_NP[_j * FMAP_W + _CUT_XS_NP[_p, _h], _p] = 1.0


def _project_body(xt_ref, wr_ref, wct_ref, bconv_ref, out_ref, outt_ref):
    wr = wr_ref[0]
    wcomb = jnp.dot(wct_ref[...], wr,
                    preferred_element_type=jnp.float32)
    xb = xt_ref[0].reshape(B * FMAP_W, IN_CH)
    m = jnp.dot(xb, wcomb, preferred_element_type=jnp.float32)
    wb = jnp.dot(bconv_ref[...], wr, preferred_element_type=jnp.float32)
    m = m + wb
    m = m.reshape(B, 1, FMAP_W, NOUT)
    out_ref[...] = m
    outt_ref[...] = m.transpose(1, 0, 3, 2)


def _project(xt, wr, wct, bconv):
    return pl.pallas_call(
        _project_body,
        grid=(HP,),
        in_specs=[
            pl.BlockSpec((1, B, FMAP_W, IN_CH),
                         lambda h: (jnp.minimum(h, FMAP_H - 1), 0, 0, 0)),
            pl.BlockSpec((1, FEAT_CH, NOUT), lambda h: (h, 0, 0)),
            pl.BlockSpec((IN_CH, FEAT_CH), lambda h: (0, 0)),
            pl.BlockSpec((1, FEAT_CH), lambda h: (0, 0)),
        ],
        out_specs=[
            pl.BlockSpec((B, 1, FMAP_W, NOUT), lambda h: (0, h, 0, 0)),
            pl.BlockSpec((1, B, NOUT, FMAP_W), lambda h: (h, 0, 0, 0)),
        ],
        out_shape=[
            jax.ShapeDtypeStruct((B, HP, FMAP_W, NOUT), jnp.float32),
            jax.ShapeDtypeStruct((HP, B, NOUT, FMAP_W), jnp.float32),
        ],
    )(xt, wr, wct, bconv)


def _gather_body(table_hbm, extra_hbm, idx_hbm, out_hbm, idx_v, slab_v, acc_v,
                 sem):
    t = lax.axis_index("s") * 2 + lax.axis_index("c")
    b = t // TPB
    tm = t - b * TPB
    for k in range(NOUT // 16):
        slab_v[ZROW, pl.ds(k * 16, 16)] = jnp.zeros((16,), jnp.float32)
    pltpu.sync_copy(extra_hbm.at[tm], acc_v)

    for g in range(NG_SC):
        pltpu.sync_copy(idx_hbm.at[tm, g], idx_v)
        pltpu.sync_copy(
            table_hbm.at[pl.ds((b * NG_SC + g) * SLAB_R, SLAB_R)],
            slab_v.at[pl.ds(0, SLAB_R), pl.ds(0, NOUT)])

        def og_step(og, carry):
            rows = [idx_v[og, hl] for hl in range(HPG)]
            a16 = og * 16

            def col_step(kq, carry2):
                for u in range(KU):
                    k = kq * KU + u
                    kvec = jnp.full((16,), k, jnp.int32)
                    vals = [acc_v[k, pl.ds(a16, 16)]]
                    vals += [plsc.load_gather(slab_v, [rows[hl], kvec])
                             for hl in range(HPG)]
                    while len(vals) > 1:
                        nxt = [vals[i] + vals[i + 1]
                               for i in range(0, len(vals) - 1, 2)]
                        if len(vals) % 2:
                            nxt.append(vals[-1])
                        vals = nxt
                    acc_v[k, pl.ds(a16, 16)] = vals[0]
                return carry2

            lax.fori_loop(0, NOUT // KU, col_step, 0)
            return carry

        lax.fori_loop(0, OG, og_step, 0)

    pltpu.sync_copy(acc_v.at[:, pl.ds(0, PT)],
                    out_hbm.at[b, :, pl.ds(tm * PT, PT)])


def _gather(table, extra_t, idx):
    mesh = plsc.VectorSubcoreMesh(core_axis_name="c", subcore_axis_name="s")
    f = pl.kernel(
        _gather_body,
        out_type=jax.ShapeDtypeStruct((B, NOUT, N_ANCH), jnp.float32),
        mesh=mesh,
        scratch_types=[
            pltpu.VMEM((OG, HPG, 16), jnp.int32),
            pltpu.VMEM((SLAB_R + 1, NOUTP), jnp.float32),
            pltpu.VMEM((NOUT, ACC_R), jnp.float32),
            pltpu.SemaphoreType.DMA,
        ],
        compiler_params=pltpu.CompilerParams(use_tc_tiling_on_sc=False,
                                             needs_layout_passes=False),
    )
    return f(table, extra_t, idx)


NBLK = N_ANCH_PAD // 2


def _combine_body(a_ref, g_ref, out_ref):
    out_ref[0] = jnp.dot(a_ref[0], g_ref[...],
                         preferred_element_type=jnp.float32)


def _combine(a_mat, g):
    return pl.pallas_call(
        _combine_body,
        grid=(N_ANCH_PAD // NBLK, B),
        in_specs=[
            pl.BlockSpec((1, NOUT, N_TC * FMAP_W), lambda nb, b: (b, 0, 0)),
            pl.BlockSpec((N_TC * FMAP_W, NBLK), lambda nb, b: (0, nb)),
        ],
        out_specs=pl.BlockSpec((1, NOUT, NBLK), lambda nb, b: (b, 0, nb)),
        out_shape=jax.ShapeDtypeStruct((B, NOUT, N_ANCH_PAD), jnp.float32),
    )(a_mat, g)


def _final_body(sc_ref, comb_ref, out_ref):
    out_ref[...] = sc_ref[...] + comb_ref[:, :, :N_ANCH]


def _final(sc, comb):
    return pl.pallas_call(
        _final_body,
        grid=(B,),
        in_specs=[
            pl.BlockSpec((1, NOUT, N_ANCH), lambda b: (b, 0, 0)),
            pl.BlockSpec((1, NOUT, N_ANCH_PAD), lambda b: (b, 0, 0)),
        ],
        out_specs=pl.BlockSpec((1, NOUT, N_ANCH), lambda b: (b, 0, 0)),
        out_shape=jax.ShapeDtypeStruct((B, NOUT, N_ANCH), jnp.float32),
    )(sc, comb)


def kernel(x, W_conv, b_conv, W_cls, b_cls, W_reg, b_reg):
    feat_dim = FEAT_CH * FMAP_H
    zero2 = jnp.zeros((2, feat_dim), jnp.float32)
    zero3 = jnp.zeros((3, feat_dim), jnp.float32)
    wfull = jnp.concatenate([W_cls, zero2, W_reg, zero3], axis=0)
    wr = wfull.reshape(NOUT, FEAT_CH, FMAP_H).transpose(2, 1, 0)
    wr = jnp.concatenate([wr, jnp.zeros((1, FEAT_CH, NOUT), jnp.float32)], 0)
    wct = W_conv[:, :, 0, 0].T
    xt = x.transpose(2, 0, 3, 1)

    m2, m2t = _project(xt, wr, wct, b_conv.reshape(1, FEAT_CH))

    bias = jnp.concatenate([b_cls, jnp.zeros((2,), jnp.float32),
                            b_reg, jnp.zeros((3,), jnp.float32)])
    extra = jnp.asarray(_ANCH_TILED_NP) + bias[None, None, :]
    extra_t = extra.transpose(0, 2, 1)
    table = m2[:, :H_SC].reshape(B * H_SC * FMAP_W, NOUT)

    sc = _gather(table, extra_t, jnp.asarray(_IDX_NP))
    a_mat = (m2t[H_SC:FMAP_H].transpose(1, 2, 0, 3)
             .reshape(B, NOUT, N_TC * FMAP_W)
             .astype(jnp.bfloat16))
    comb = _combine(a_mat, jnp.asarray(_G_NP, dtype=jnp.bfloat16))
    out = _final(sc, comb)
    return out.transpose(0, 2, 1)[:, :, :77]

# --- scband reference (transcript-rebuilt; emitter-appended) ---
"""Pipeline reference for scband-lane-atthead-90838558310857 (READ-ONLY COPY).

The authoritative reference and input builder live on the scoring server;
editing this copy changes nothing except your own understanding.
"""

import math
import jax, jax.numpy as jnp
import numpy as np

IMG_H, IMG_W = 360, 640
S = 72
STRIDE = 8
FMAP_H, FMAP_W = IMG_H // STRIDE, IMG_W // STRIDE
N_OFFSETS = S
IN_CH = 256
FEAT_CH = 64
LEFT_ANGLES = [72., 60., 49., 39., 30., 22.]
RIGHT_ANGLES = [108., 120., 131., 141., 150., 158.]
BOTTOM_ANGLES = [165., 150., 141., 131., 120., 108., 100., 90., 80., 72., 60., 49., 39., 30., 15.]


def _gen_anchor(start, angle_deg, cut):
    n = FMAP_H if cut else N_OFFSETS
    anchor_ys = np.linspace(1.0, 0.0, n, dtype=np.float64)
    a = np.zeros(2 + 2 + 1 + n, dtype=np.float32)
    angle = angle_deg * math.pi / 180.0
    sx, sy = start
    a[2] = 1.0 - sy
    a[3] = sx
    a[5:] = (sx + (1.0 - anchor_ys - 1.0 + sy) / math.tan(angle)) * IMG_W
    return a


def _side_anchors(angles, nb, x=None, y=None):
    if x is None:
        starts = [(vx, y) for vx in np.linspace(1.0, 0.0, nb)]
    else:
        starts = [(x, vy) for vy in np.linspace(1.0, 0.0, nb)]
    anchors, cuts = [], []
    for s in starts:
        for ang in angles:
            anchors.append(_gen_anchor(s, ang, False))
            cuts.append(_gen_anchor(s, ang, True))
    return np.stack(anchors), np.stack(cuts)


def _build_anchors():
    la, lc = _side_anchors(LEFT_ANGLES, 72, x=0.0)
    ra, rc = _side_anchors(RIGHT_ANGLES, 72, x=1.0)
    ba, bc = _side_anchors(BOTTOM_ANGLES, 128, y=1.0)
    anchors = np.concatenate([la, ba, ra], axis=0)
    cuts = np.concatenate([lc, bc, rc], axis=0)
    xs_uncl = np.flip(np.round(cuts[:, 5:] / STRIDE), axis=1).astype(np.int64)
    cut_xs = np.clip(xs_uncl, 0, FMAP_W - 1)
    invalid = (xs_uncl < 0) | (xs_uncl > FMAP_W)
    return jnp.asarray(anchors), jnp.asarray(cut_xs), jnp.asarray(invalid)


def setup_inputs(seed: int = 0) -> dict:
    key = jax.random.key(seed)
    ks = jax.random.split(key, 4)
    feat_dim = FEAT_CH * FMAP_H
    x = jax.random.normal(ks[0], (8, IN_CH, FMAP_H, FMAP_W), dtype=jnp.float32)
    W_conv = jax.random.normal(ks[1], (FEAT_CH, IN_CH, 1, 1), dtype=jnp.float32) * math.sqrt(2.0 / FEAT_CH)
    b_conv = jnp.zeros((FEAT_CH,), jnp.float32)
    W_cls = jax.random.normal(ks[2], (2, feat_dim), dtype=jnp.float32) * 0.01
    b_cls = jnp.zeros((2,), jnp.float32)
    W_reg = jax.random.normal(ks[3], (N_OFFSETS + 1, feat_dim), dtype=jnp.float32) * 0.01
    b_reg = jnp.zeros((N_OFFSETS + 1,), jnp.float32)
    return {"x": x, "W_conv": W_conv, "b_conv": b_conv, "W_cls": W_cls, "b_cls": b_cls, "W_reg": W_reg, "b_reg": b_reg}


def reference(x, W_conv, b_conv, W_cls, b_cls, W_reg, b_reg):
    anchors, cut_xs, invalid = _build_anchors()
    B = x.shape[0]
    # 1x1 conv
    xc = jnp.einsum('bchw,oc->bohw', x, W_conv[:, :, 0, 0]) + b_conv[None, :, None, None]
    # cut anchor features: out[b,p,c,h] = xc[b,c,h,cut_xs[p,h]], zeroed where invalid
    hh = jnp.broadcast_to(jnp.arange(FMAP_H)[None, :], cut_xs.shape)
    rois = xc[:, :, hh, cut_xs]              # [B, C, N, H]
    rois = jnp.transpose(rois, (0, 2, 1, 3))  # [B, N, C, H]
    rois = jnp.where(invalid[None, :, None, :], 0.0, rois)
    N = anchors.shape[0]
    feat = rois.reshape(B * N, -1)
    cls_logits = (feat @ W_cls.T + b_cls).reshape(B, N, 2)
    reg_out = (feat @ W_reg.T + b_reg).reshape(B, N, N_OFFSETS + 1)
    proposals = jnp.broadcast_to(anchors[None], (B, N, anchors.shape[1]))
    proposals = proposals.at[:, :, :2].set(cls_logits)
    proposals = proposals.at[:, :, 4:].add(reg_out)
    return proposals

if __name__ == "__main__":
    import jax
    _d = setup_inputs()
    print(jax.jit(kernel)(*tuple(_d.values())))

</pallas_src>

<mosaic_0001>
#map = affine_map<(d0, d1) -> (0, 0)>
#map1 = affine_map<(d0, d1) -> (0, 0, 0)>
#map2 = affine_map<(d0, d1) -> (0, 0, 0, 0, 0)>
module attributes {stable_mosaic.version = 14 : i64} {
  func.func @_gather_body(%arg0: i32, %arg1: i32, %arg2: memref<3200x80xf32, #tpu.memory_space<hbm>>, %arg3: memref<4x80x704xf32, #tpu.memory_space<hbm>>, %arg4: memref<4x1x44x5x16xi32, #tpu.memory_space<hbm>>, %arg5: memref<8x80x2784xf32, #tpu.memory_space<hbm>>, %arg6: memref<44x5x16xi32, #tpu.memory_space<vmem>>, %arg7: memref<401x81xf32, #tpu.memory_space<vmem>>, %arg8: memref<80x704xf32, #tpu.memory_space<vmem>>, %arg9: memref<!tpu.dma_semaphore, #tpu.memory_space<semaphore_mem>>) attributes {dimension_semantics = [#tpu.dimension_semantics<core_parallel>, #tpu.dimension_semantics<subcore_parallel>], iteration_bounds = array<i64: 2, 16>, scalar_prefetch = 0 : i64, scratch_operands = 4 : i64, tpu.core_type = #tpu.core_type<sc_vector_subcore>, window_params = [{transform_indices = #map}, {transform_indices = #map1}, {transform_indices = #map2}, {transform_indices = #map1}]} {
    %mul3A = arith.constant 2 : i32
    %mul3A_0 = arith.muli %arg1, %mul3A : i32
    %add3A = arith.addi %mul3A_0, %arg0 : i32
    %jit3A = arith.constant 4 : i32
    %div3A = arith.divsi %add3A, %jit3A : i32
    %sign3A = arith.constant 0 : i32
    %sign3A_1 = arith.cmpi sgt, %add3A, %sign3A : i32
    %sign3A_2 = arith.extui %sign3A_1 : i1 to i32
    %sign3A_3 = arith.constant 0 : i32
    %sign3A_4 = arith.cmpi slt, %add3A, %sign3A_3 : i32
    %sign3A_5 = arith.extui %sign3A_4 : i1 to i32
    %sign3A_6 = arith.subi %sign3A_2, %sign3A_5 : i32
    %sign3A_7 = arith.constant 0 : i32
    %sign3A_8 = arith.cmpi sgt, %jit3A, %sign3A_7 : i32
    %sign3A_9 = arith.extui %sign3A_8 : i1 to i32
    %sign3A_10 = arith.constant 0 : i32
    %sign3A_11 = arith.cmpi slt, %jit3A, %sign3A_10 : i32
    %sign3A_12 = arith.extui %sign3A_11 : i1 to i32
    %sign3A_13 = arith.subi %sign3A_9, %sign3A_12 : i32
    %ne3A = arith.cmpi ne, %sign3A_6, %sign3A_13 : i32
    %rem3A = arith.remsi %add3A, %jit3A : i32
    %ne3A_14 = arith.constant 0 : i32
    %ne3A_15 = arith.cmpi ne, %rem3A, %ne3A_14 : i32
    %and3A = arith.andi %ne3A, %ne3A_15 : i1
    %sub3A = arith.constant 1 : i32
    %sub3A_16 = arith.subi %div3A, %sub3A : i32
    %select_n3A = arith.select %and3A, %sub3A_16, %div3A : i32
    %mul3A_17 = arith.constant 4 : i32
    %mul3A_18 = arith.muli %select_n3A, %mul3A_17 : i32
    %sub3A_19 = arith.subi %add3A, %mul3A_18 : i32
    %broadcast_in_dim3A = arith.constant 0.000000e+00 : f32
    %broadcast_in_dim3A_20 = vector.broadcast %broadcast_in_dim3A : f32 to vector<16xf32>
    %swap3A = arith.constant 400 : i32
    %swap3A_21 = arith.index_cast %swap3A : i32 to index
    %swap3A_22 = arith.constant 0 : index
    %swap3A_23 = tpu.vector_load %arg7[%swap3A_21, %swap3A_22] {strides = array<i32>} : memref<401x81xf32, #tpu.memory_space<vmem>>, vector<16xf32>,
    tpu.vector_store %arg7[%swap3A_21, %swap3A_22], %broadcast_in_dim3A_20 {strides = array<i32>} : memref<401x81xf32, #tpu.memory_space<vmem>>, vector<16xf32>,
    %broadcast_in_dim3A_24 = arith.constant 0.000000e+00 : f32
    %broadcast_in_dim3A_25 = vector.broadcast %broadcast_in_dim3A_24 : f32 to vector<16xf32>
    %swap3A_26 = arith.constant 400 : i32
    %swap3A_27 = arith.index_cast %swap3A_26 : i32 to index
    %swap3A_28 = arith.constant 16 : index
    %swap3A_29 = tpu.vector_load %arg7[%swap3A_27, %swap3A_28] {strides = array<i32>} : memref<401x81xf32, #tpu.memory_space<vmem>>, vector<16xf32>,
    tpu.vector_store %arg7[%swap3A_27, %swap3A_28], %broadcast_in_dim3A_25 {strides = array<i32>} : memref<401x81xf32, #tpu.memory_space<vmem>>, vector<16xf32>,
    %broadcast_in_dim3A_30 = arith.constant 0.000000e+00 : f32
    %broadcast_in_dim3A_31 = vector.broadcast %broadcast_in_dim3A_30 : f32 to vector<16xf32>
    %swap3A_32 = arith.constant 400 : i32
    %swap3A_33 = arith.index_cast %swap3A_32 : i32 to index
    %swap3A_34 = arith.constant 32 : index
    %swap3A_35 = tpu.vector_load %arg7[%swap3A_33, %swap3A_34] {strides = array<i32>} : memref<401x81xf32, #tpu.memory_space<vmem>>, vector<16xf32>,
    tpu.vector_store %arg7[%swap3A_33, %swap3A_34], %broadcast_in_dim3A_31 {strides = array<i32>} : memref<401x81xf32, #tpu.memory_space<vmem>>, vector<16xf32>,
    %broadcast_in_dim3A_36 = arith.constant 0.000000e+00 : f32
    %broadcast_in_dim3A_37 = vector.broadcast %broadcast_in_dim3A_36 : f32 to vector<16xf32>
    %swap3A_38 = arith.constant 400 : i32
    %swap3A_39 = arith.index_cast %swap3A_38 : i32 to index
    %swap3A_40 = arith.constant 48 : index
    %swap3A_41 = tpu.vector_load %arg7[%swap3A_39, %swap3A_40] {strides = array<i32>} : memref<401x81xf32, #tpu.memory_space<vmem>>, vector<16xf32>,
    tpu.vector_store %arg7[%swap3A_39, %swap3A_40], %broadcast_in_dim3A_37 {strides = array<i32>} : memref<401x81xf32, #tpu.memory_space<vmem>>, vector<16xf32>,
    %broadcast_in_dim3A_42 = arith.constant 0.000000e+00 : f32
    %broadcast_in_dim3A_43 = vector.broadcast %broadcast_in_dim3A_42 : f32 to vector<16xf32>
    %swap3A_44 = arith.constant 400 : i32
    %swap3A_45 = arith.index_cast %swap3A_44 : i32 to index
    %swap3A_46 = arith.constant 64 : index
    %swap3A_47 = tpu.vector_load %arg7[%swap3A_45, %swap3A_46] {strides = array<i32>} : memref<401x81xf32, #tpu.memory_space<vmem>>, vector<16xf32>,
    tpu.vector_store %arg7[%swap3A_45, %swap3A_46], %broadcast_in_dim3A_43 {strides = array<i32>} : memref<401x81xf32, #tpu.memory_space<vmem>>, vector<16xf32>,
    "tpu.region"() ({
      %run_scoped3A_61 = tpu.sem_alloc : memref<!tpu.dma_semaphore, #tpu.memory_space<semaphore_mem>>
      %dma_start3A = arith.constant 0 : i32
      %dma_start3A_62 = arith.constant 0 : i32
      %dma_start3A_63 = tpu.memref_slice %arg3[%sub3A_19, %dma_start3A, %dma_start3A_62] : memref<4x80x704xf32, #tpu.memory_space<hbm>> -> memref<1x80x704xf32, #tpu.memory_space<hbm>>
      %dma_start3A_64 = tpu.memref_squeeze %dma_start3A_63 : memref<1x80x704xf32, #tpu.memory_space<hbm>> -> memref<80x704xf32, #tpu.memory_space<hbm>>
      %dma_start3A_65 = arith.constant 0 : i32
      %dma_start3A_66 = arith.constant 0 : i32
      %dma_start3A_67 = tpu.memref_slice %arg3[%sub3A_19, %dma_start3A_65, %dma_start3A_66] : memref<4x80x704xf32, #tpu.memory_space<hbm>> -> memref<1x80x704xf32, #tpu.memory_space<hbm>>
      %dma_start3A_68 = tpu.memref_squeeze %dma_start3A_67 : memref<1x80x704xf32, #tpu.memory_space<hbm>> -> memref<80x704xf32, #tpu.memory_space<hbm>>
      tpu.enqueue_dma source(%dma_start3A_68 : memref<80x704xf32, #tpu.memory_space<hbm>>) target(%arg8 : memref<80x704xf32, #tpu.memory_space<vmem>>) target_semaphore(%run_scoped3A_61 : memref<!tpu.dma_semaphore, #tpu.memory_space<semaphore_mem>>)
      %dma_wait3A = arith.constant 0 : i32
      %dma_wait3A_69 = arith.constant 0 : i32
      %dma_wait3A_70 = tpu.memref_slice %arg3[%sub3A_19, %dma_wait3A, %dma_wait3A_69] : memref<4x80x704xf32, #tpu.memory_space<hbm>> -> memref<1x80x704xf32, #tpu.memory_space<hbm>>
      %dma_wait3A_71 = tpu.memref_squeeze %dma_wait3A_70 : memref<1x80x704xf32, #tpu.memory_space<hbm>> -> memref<80x704xf32, #tpu.memory_space<hbm>>
      %dma_wait3A_72 = arith.constant 0 : i32
      %dma_wait3A_73 = arith.constant 0 : i32
      %dma_wait3A_74 = tpu.memref_slice %arg3[%sub3A_19, %dma_wait3A_72, %dma_wait3A_73] : memref<4x80x704xf32, #tpu.memory_space<hbm>> -> memref<1x80x704xf32, #tpu.memory_space<hbm>>
      %dma_wait3A_75 = tpu.memref_squeeze %dma_wait3A_74 : memref<1x80x704xf32, #tpu.memory_space<hbm>> -> memref<80x704xf32, #tpu.memory_space<hbm>>
      tpu.wait_dma2 semaphore(%run_scoped3A_61 : memref<!tpu.dma_semaphore, #tpu.memory_space<semaphore_mem>>) src(%dma_wait3A_75 : memref<80x704xf32, #tpu.memory_space<hbm>>) dst(%arg8 : memref<80x704xf32, #tpu.memory_space<vmem>>)
      tpu.yield
    }) : () -> ()
    %run_scoped3A = arith.constant 0 : i32
    "tpu.region"() ({
      %run_scoped3A_61 = tpu.sem_alloc : memref<!tpu.dma_semaphore, #tpu.memory_space<semaphore_mem>>
      %dma_start3A = arith.constant 0 : i32
      %dma_start3A_62 = arith.constant 0 : i32
      %dma_start3A_63 = arith.constant 0 : i32
      %dma_start3A_64 = tpu.memref_slice %arg4[%sub3A_19, %run_scoped3A, %dma_start3A, %dma_start3A_62, %dma_start3A_63] : memref<4x1x44x5x16xi32, #tpu.memory_space<hbm>> -> memref<1x1x44x5x16xi32, #tpu.memory_space<hbm>>
      %dma_start3A_65 = tpu.memref_squeeze %dma_start3A_64 : memref<1x1x44x5x16xi32, #tpu.memory_space<hbm>> -> memref<44x5x16xi32, #tpu.memory_space<hbm>>
      %dma_start3A_66 = arith.constant 0 : i32
      %dma_start3A_67 = arith.constant 0 : i32
      %dma_start3A_68 = arith.constant 0 : i32
      %dma_start3A_69 = tpu.memref_slice %arg4[%sub3A_19, %run_scoped3A, %dma_start3A_66, %dma_start3A_67, %dma_start3A_68] : memref<4x1x44x5x16xi32, #tpu.memory_space<hbm>> -> memref<1x1x44x5x16xi32, #tpu.memory_space<hbm>>
      %dma_start3A_70 = tpu.memref_squeeze %dma_start3A_69 : memref<1x1x44x5x16xi32, #tpu.memory_space<hbm>> -> memref<44x5x16xi32, #tpu.memory_space<hbm>>
      tpu.enqueue_dma source(%dma_start3A_70 : memref<44x5x16xi32, #tpu.memory_space<hbm>>) target(%arg6 : memref<44x5x16xi32, #tpu.memory_space<vmem>>) target_semaphore(%run_scoped3A_61 : memref<!tpu.dma_semaphore, #tpu.memory_space<semaphore_mem>>)
      %dma_wait3A = arith.constant 0 : i32
      %dma_wait3A_71 = arith.constant 0 : i32
      %dma_wait3A_72 = arith.constant 0 : i32
      %dma_wait3A_73 = tpu.memref_slice %arg4[%sub3A_19, %run_scoped3A, %dma_wait3A, %dma_wait3A_71, %dma_wait3A_72] : memref<4x1x44x5x16xi32, #tpu.memory_space<hbm>> -> memref<1x1x44x5x16xi32, #tpu.memory_space<hbm>>
      %dma_wait3A_74 = tpu.memref_squeeze %dma_wait3A_73 : memref<1x1x44x5x16xi32, #tpu.memory_space<hbm>> -> memref<44x5x16xi32, #tpu.memory_space<hbm>>
      %dma_wait3A_75 = arith.constant 0 : i32
      %dma_wait3A_76 = arith.constant 0 : i32
      %dma_wait3A_77 = arith.constant 0 : i32
      %dma_wait3A_78 = tpu.memref_slice %arg4[%sub3A_19, %run_scoped3A, %dma_wait3A_75, %dma_wait3A_76, %dma_wait3A_77] : memref<4x1x44x5x16xi32, #tpu.memory_space<hbm>> -> memref<1x1x44x5x16xi32, #tpu.memory_space<hbm>>
      %dma_wait3A_79 = tpu.memref_squeeze %dma_wait3A_78 : memref<1x1x44x5x16xi32, #tpu.memory_space<hbm>> -> memref<44x5x16xi32, #tpu.memory_space<hbm>>
      tpu.wait_dma2 semaphore(%run_scoped3A_61 : memref<!tpu.dma_semaphore, #tpu.memory_space<semaphore_mem>>) src(%dma_wait3A_79 : memref<44x5x16xi32, #tpu.memory_space<hbm>>) dst(%arg6 : memref<44x5x16xi32, #tpu.memory_space<vmem>>)
      tpu.yield
    }) : () -> ()
    %mul3A_48 = arith.constant 1 : i32
    %mul3A_49 = arith.muli %select_n3A, %mul3A_48 : i32
    %add3A_50 = arith.constant 0 : i32
    %add3A_51 = arith.addi %mul3A_49, %add3A_50 : i32
    %mul3A_52 = arith.constant 400 : i32
    %mul3A_53 = arith.muli %add3A_51, %mul3A_52 : i32
    "tpu.region"() ({
      %run_scoped3A_61 = tpu.sem_alloc : memref<!tpu.dma_semaphore, #tpu.memory_space<semaphore_mem>>
      %dma_start3A = arith.constant 0 : i32
      %dma_start3A_62 = arith.constant 0 : i32
      %dma_start3A_63 = tpu.memref_slice %arg7[%dma_start3A, %dma_start3A_62] : memref<401x81xf32, #tpu.memory_space<vmem>> -> memref<400x80xf32, #tpu.memory_space<vmem>>
      %dma_start3A_64 = arith.constant 0 : i32
      %dma_start3A_65 = tpu.memref_slice %arg2[%mul3A_53, %dma_start3A_64] : memref<3200x80xf32, #tpu.memory_space<hbm>> -> memref<400x80xf32, #tpu.memory_space<hbm>>
      %dma_start3A_66 = arith.constant 0 : i32
      %dma_start3A_67 = arith.constant 0 : i32
      %dma_start3A_68 = tpu.memref_slice %arg7[%dma_start3A_66, %dma_start3A_67] : memref<401x81xf32, #tpu.memory_space<vmem>> -> memref<400x80xf32, #tpu.memory_space<vmem>>
      %dma_start3A_69 = arith.constant 0 : i32
      %dma_start3A_70 = tpu.memref_slice %arg2[%mul3A_53, %dma_start3A_69] : memref<3200x80xf32, #tpu.memory_space<hbm>> -> memref<400x80xf32, #tpu.memory_space<hbm>>
      tpu.enqueue_dma source(%dma_start3A_70 : memref<400x80xf32, #tpu.memory_space<hbm>>) target(%dma_start3A_68 : memref<400x80xf32, #tpu.memory_space<vmem>>) target_semaphore(%run_scoped3A_61 : memref<!tpu.dma_semaphore, #tpu.memory_space<semaphore_mem>>)
      %dma_wait3A = arith.constant 0 : i32
      %dma_wait3A_71 = arith.constant 0 : i32
      %dma_wait3A_72 = tpu.memref_slice %arg7[%dma_wait3A, %dma_wait3A_71] : memref<401x81xf32, #tpu.memory_space<vmem>> -> memref<400x80xf32, #tpu.memory_space<vmem>>
      %dma_wait3A_73 = arith.constant 0 : i32
      %dma_wait3A_74 = tpu.memref_slice %arg2[%mul3A_53, %dma_wait3A_73] : memref<3200x80xf32, #tpu.memory_space<hbm>> -> memref<400x80xf32, #tpu.memory_space<hbm>>
      %dma_wait3A_75 = arith.constant 0 : i32
      %dma_wait3A_76 = arith.constant 0 : i32
      %dma_wait3A_77 = tpu.memref_slice %arg7[%dma_wait3A_75, %dma_wait3A_76] : memref<401x81xf32, #tpu.memory_space<vmem>> -> memref<400x80xf32, #tpu.memory_space<vmem>>
      %dma_wait3A_78 = arith.constant 0 : i32
      %dma_wait3A_79 = tpu.memref_slice %arg2[%mul3A_53, %dma_wait3A_78] : memref<3200x80xf32, #tpu.memory_space<hbm>> -> memref<400x80xf32, #tpu.memory_space<hbm>>
      tpu.wait_dma2 semaphore(%run_scoped3A_61 : memref<!tpu.dma_semaphore, #tpu.memory_space<semaphore_mem>>) src(%dma_wait3A_79 : memref<400x80xf32, #tpu.memory_space<hbm>>) dst(%dma_wait3A_77 : memref<400x80xf32, #tpu.memory_space<vmem>>)
      tpu.yield
    }) : () -> ()
    %scan3A = arith.constant 0 : i32
    %scan3A_54 = arith.constant 0 : i32
    %scan3A_55 = arith.constant 44 : i32
    %scan3A_56 = arith.addi %scan3A_54, %scan3A_55 : i32
    %scan3A_57 = arith.constant 1 : i32
    scf.for %scan3A_61 = %scan3A_54 to %scan3A_56 step %scan3A_57  : i32 {
      %get3A = arith.constant 0 : i32
      %get3A_62 = arith.index_cast %scan3A_61 : i32 to index
      %get3A_63 = arith.index_cast %get3A : i32 to index
      %get3A_64 = arith.constant 0 : index
      %get3A_65 = tpu.vector_load %arg6[%get3A_62, %get3A_63, %get3A_64] {strides = array<i32>} : memref<44x5x16xi32, #tpu.memory_space<vmem>>, vector<16xi32>,
      %get3A_66 = arith.constant 1 : i32
      %get3A_67 = arith.index_cast %scan3A_61 : i32 to index
      %get3A_68 = arith.index_cast %get3A_66 : i32 to index
      %get3A_69 = arith.constant 0 : index
      %get3A_70 = tpu.vector_load %arg6[%get3A_67, %get3A_68, %get3A_69] {strides = array<i32>} : memref<44x5x16xi32, #tpu.memory_space<vmem>>, vector<16xi32>,
      %get3A_71 = arith.constant 2 : i32
      %get3A_72 = arith.index_cast %scan3A_61 : i32 to index
      %get3A_73 = arith.index_cast %get3A_71 : i32 to index
      %get3A_74 = arith.constant 0 : index
      %get3A_75 = tpu.vector_load %arg6[%get3A_72, %get3A_73, %get3A_74] {strides = array<i32>} : memref<44x5x16xi32, #tpu.memory_space<vmem>>, vector<16xi32>,
      %get3A_76 = arith.constant 3 : i32
      %get3A_77 = arith.index_cast %scan3A_61 : i32 to index
      %get3A_78 = arith.index_cast %get3A_76 : i32 to index
      %get3A_79 = arith.constant 0 : index
      %get3A_80 = tpu.vector_load %arg6[%get3A_77, %get3A_78, %get3A_79] {strides = array<i32>} : memref<44x5x16xi32, #tpu.memory_space<vmem>>, vector<16xi32>,
      %get3A_81 = arith.constant 4 : i32
      %get3A_82 = arith.index_cast %scan3A_61 : i32 to index
      %get3A_83 = arith.index_cast %get3A_81 : i32 to index
      %get3A_84 = arith.constant 0 : index
      %get3A_85 = tpu.vector_load %arg6[%get3A_82, %get3A_83, %get3A_84] {strides = array<i32>} : memref<44x5x16xi32, #tpu.memory_space<vmem>>, vector<16xi32>,
      %mul3A_86 = arith.constant 16 : i32
      %mul3A_87 = arith.muli %scan3A_61, %mul3A_86 : i32
      %scan3A_88 = arith.constant 0 : i32
      %scan3A_89 = arith.constant 0 : i32
      %scan3A_90 = arith.constant 10 : i32
      %scan3A_91 = arith.addi %scan3A_89, %scan3A_90 : i32
      %scan3A_92 = arith.constant 1 : i32
      scf.for %scan3A_94 = %scan3A_89 to %scan3A_91 step %scan3A_92  : i32 {
        %mul3A_95 = arith.constant 8 : i32
        %mul3A_96 = arith.muli %scan3A_94, %mul3A_95 : i32
        %add3A_97 = arith.constant 0 : i32
        %add3A_98 = arith.addi %mul3A_96, %add3A_97 : i32
        %broadcast_in_dim3A_99 = vector.broadcast %add3A_98 : i32 to vector<16xi32>
        %get3A_100 = arith.index_cast %add3A_98 : i32 to index
        %get3A_101 = arith.index_cast %mul3A_87 : i32 to index
        %get3A_102 = tpu.vector_load %arg8[%get3A_100, %get3A_101] {strides = array<i32>} : memref<80x704xf32, #tpu.memory_space<vmem>>, vector<16xf32>,
        %gather3A = tpu.vector_load_idx %arg7[%get3A_65, %broadcast_in_dim3A_99] : memref<401x81xf32, #tpu.memory_space<vmem>>[vector<16xi32>, vector<16xi32>], vector<16xf32>,
        %gather3A_103 = tpu.vector_load_idx %arg7[%get3A_70, %broadcast_in_dim3A_99] : memref<401x81xf32, #tpu.memory_space<vmem>>[vector<16xi32>, vector<16xi32>], vector<16xf32>,
        %gather3A_104 = tpu.vector_load_idx %arg7[%get3A_75, %broadcast_in_dim3A_99] : memref<401x81xf32, #tpu.memory_space<vmem>>[vector<16xi32>, vector<16xi32>], vector<16xf32>,
        %gather3A_105 = tpu.vector_load_idx %arg7[%get3A_80, %broadcast_in_dim3A_99] : memref<401x81xf32, #tpu.memory_space<vmem>>[vector<16xi32>, vector<16xi32>], vector<16xf32>,
        %gather3A_106 = tpu.vector_load_idx %arg7[%get3A_85, %broadcast_in_dim3A_99] : memref<401x81xf32, #tpu.memory_space<vmem>>[vector<16xi32>, vector<16xi32>], vector<16xf32>,
        %add3A_107 = arith.addf %get3A_102, %gather3A : vector<16xf32>
        %add3A_108 = arith.addf %gather3A_103, %gather3A_104 : vector<16xf32>
        %add3A_109 = arith.addf %gather3A_105, %gather3A_106 : vector<16xf32>
        %add3A_110 = arith.addf %add3A_107, %add3A_108 : vector<16xf32>
        %add3A_111 = arith.addf %add3A_110, %add3A_109 : vector<16xf32>
        %swap3A_112 = arith.index_cast %add3A_98 : i32 to index
        %swap3A_113 = arith.index_cast %mul3A_87 : i32 to index
        %swap3A_114 = tpu.vector_load %arg8[%swap3A_112, %swap3A_113] {strides = array<i32>} : memref<80x704xf32, #tpu.memory_space<vmem>>, vector<16xf32>,
        tpu.vector_store %arg8[%swap3A_112, %swap3A_113], %add3A_111 {strides = array<i32>} : memref<80x704xf32, #tpu.memory_space<vmem>>, vector<16xf32>,
        %mul3A_115 = arith.constant 8 : i32
        %mul3A_116 = arith.muli %scan3A_94, %mul3A_115 : i32
        %add3A_117 = arith.constant 1 : i32
        %add3A_118 = arith.addi %mul3A_116, %add3A_117 : i32
        %broadcast_in_dim3A_119 = vector.broadcast %add3A_118 : i32 to vector<16xi32>
        %get3A_120 = arith.index_cast %add3A_118 : i32 to index
        %get3A_121 = arith.index_cast %mul3A_87 : i32 to index
        %get3A_122 = tpu.vector_load %arg8[%get3A_120, %get3A_121] {strides = array<i32>} : memref<80x704xf32, #tpu.memory_space<vmem>>, vector<16xf32>,
        %gather3A_123 = tpu.vector_load_idx %arg7[%get3A_65, %broadcast_in_dim3A_119] : memref<401x81xf32, #tpu.memory_space<vmem>>[vector<16xi32>, vector<16xi32>], vector<16xf32>,
        %gather3A_124 = tpu.vector_load_idx %arg7[%get3A_70, %broadcast_in_dim3A_119] : memref<401x81xf32, #tpu.memory_space<vmem>>[vector<16xi32>, vector<16xi32>], vector<16xf32>,
        %gather3A_125 = tpu.vector_load_idx %arg7[%get3A_75, %broadcast_in_dim3A_119] : memref<401x81xf32, #tpu.memory_space<vmem>>[vector<16xi32>, vector<16xi32>], vector<16xf32>,
        %gather3A_126 = tpu.vector_load_idx %arg7[%get3A_80, %broadcast_in_dim3A_119] : memref<401x81xf32, #tpu.memory_space<vmem>>[vector<16xi32>, vector<16xi32>], vector<16xf32>,
        %gather3A_127 = tpu.vector_load_idx %arg7[%get3A_85, %broadcast_in_dim3A_119] : memref<401x81xf32, #tpu.memory_space<vmem>>[vector<16xi32>, vector<16xi32>], vector<16xf32>,
        %add3A_128 = arith.addf %get3A_122, %gather3A_123 : vector<16xf32>
        %add3A_129 = arith.addf %gather3A_124, %gather3A_125 : vector<16xf32>
        %add3A_130 = arith.addf %gather3A_126, %gather3A_127 : vector<16xf32>
        %add3A_131 = arith.addf %add3A_128, %add3A_129 : vector<16xf32>
        %add3A_132 = arith.addf %add3A_131, %add3A_130 : vector<16xf32>
        %swap3A_133 = arith.index_cast %add3A_118 : i32 to index
        %swap3A_134 = arith.index_cast %mul3A_87 : i32 to index
        %swap3A_135 = tpu.vector_load %arg8[%swap3A_133, %swap3A_134] {strides = array<i32>} : memref<80x704xf32, #tpu.memory_space<vmem>>, vector<16xf32>,
        tpu.vector_store %arg8[%swap3A_133, %swap3A_134], %add3A_132 {strides = array<i32>} : memref<80x704xf32, #tpu.memory_space<vmem>>, vector<16xf32>,
        %mul3A_136 = arith.constant 8 : i32
        %mul3A_137 = arith.muli %scan3A_94, %mul3A_136 : i32
        %add3A_138 = arith.constant 2 : i32
        %add3A_139 = arith.addi %mul3A_137, %add3A_138 : i32
        %broadcast_in_dim3A_140 = vector.broadcast %add3A_139 : i32 to vector<16xi32>
        %get3A_141 = arith.index_cast %add3A_139 : i32 to index
        %get3A_142 = arith.index_cast %mul3A_87 : i32 to index
        %get3A_143 = tpu.vector_load %arg8[%get3A_141, %get3A_142] {strides = array<i32>} : memref<80x704xf32, #tpu.memory_space<vmem>>, vector<16xf32>,
        %gather3A_144 = tpu.vector_load_idx %arg7[%get3A_65, %broadcast_in_dim3A_140] : memref<401x81xf32, #tpu.memory_space<vmem>>[vector<16xi32>, vector<16xi32>], vector<16xf32>,
        %gather3A_145 = tpu.vector_load_idx %arg7[%get3A_70, %broadcast_in_dim3A_140] : memref<401x81xf32, #tpu.memory_space<vmem>>[vector<16xi32>, vector<16xi32>], vector<16xf32>,
        %gather3A_146 = tpu.vector_load_idx %arg7[%get3A_75, %broadcast_in_dim3A_140] : memref<401x81xf32, #tpu.memory_space<vmem>>[vector<16xi32>, vector<16xi32>], vector<16xf32>,
        %gather3A_147 = tpu.vector_load_idx %arg7[%get3A_80, %broadcast_in_dim3A_140] : memref<401x81xf32, #tpu.memory_space<vmem>>[vector<16xi32>, vector<16xi32>], vector<16xf32>,
        %gather3A_148 = tpu.vector_load_idx %arg7[%get3A_85, %broadcast_in_dim3A_140] : memref<401x81xf32, #tpu.memory_space<vmem>>[vector<16xi32>, vector<16xi32>], vector<16xf32>,
        %add3A_149 = arith.addf %get3A_143, %gather3A_144 : vector<16xf32>
        %add3A_150 = arith.addf %gather3A_145, %gather3A_146 : vector<16xf32>
        %add3A_151 = arith.addf %gather3A_147, %gather3A_148 : vector<16xf32>
        %add3A_152 = arith.addf %add3A_149, %add3A_150 : vector<16xf32>
        %add3A_153 = arith.addf %add3A_152, %add3A_151 : vector<16xf32>
        %swap3A_154 = arith.index_cast %add3A_139 : i32 to index
        %swap3A_155 = arith.index_cast %mul3A_87 : i32 to index
        %swap3A_156 = tpu.vector_load %arg8[%swap3A_154, %swap3A_155] {strides = array<i32>} : memref<80x704xf32, #tpu.memory_space<vmem>>, vector<16xf32>,
        tpu.vector_store %arg8[%swap3A_154, %swap3A_155], %add3A_153 {strides = array<i32>} : memref<80x704xf32, #tpu.memory_space<vmem>>, vector<16xf32>,
        %mul3A_157 = arith.constant 8 : i32
        %mul3A_158 = arith.muli %scan3A_94, %mul3A_157 : i32
        %add3A_159 = arith.constant 3 : i32
        %add3A_160 = arith.addi %mul3A_158, %add3A_159 : i32
        %broadcast_in_dim3A_161 = vector.broadcast %add3A_160 : i32 to vector<16xi32>
        %get3A_162 = arith.index_cast %add3A_160 : i32 to index
        %get3A_163 = arith.index_cast %mul3A_87 : i32 to index
        %get3A_164 = tpu.vector_load %arg8[%get3A_162, %get3A_163] {strides = array<i32>} : memref<80x704xf32, #tpu.memory_space<vmem>>, vector<16xf32>,
        %gather3A_165 = tpu.vector_load_idx %arg7[%get3A_65, %broadcast_in_dim3A_161] : memref<401x81xf32, #tpu.memory_space<vmem>>[vector<16xi32>, vector<16xi32>], vector<16xf32>,
        %gather3A_166 = tpu.vector_load_idx %arg7[%get3A_70, %broadcast_in_dim3A_161] : memref<401x81xf32, #tpu.memory_space<vmem>>[vector<16xi32>, vector<16xi32>], vector<16xf32>,
        %gather3A_167 = tpu.vector_load_idx %arg7[%get3A_75, %broadcast_in_dim3A_161] : memref<401x81xf32, #tpu.memory_space<vmem>>[vector<16xi32>, vector<16xi32>], vector<16xf32>,
        %gather3A_168 = tpu.vector_load_idx %arg7[%get3A_80, %broadcast_in_dim3A_161] : memref<401x81xf32, #tpu.memory_space<vmem>>[vector<16xi32>, vector<16xi32>], vector<16xf32>,
        %gather3A_169 = tpu.vector_load_idx %arg7[%get3A_85, %broadcast_in_dim3A_161] : memref<401x81xf32, #tpu.memory_space<vmem>>[vector<16xi32>, vector<16xi32>], vector<16xf32>,
        %add3A_170 = arith.addf %get3A_164, %gather3A_165 : vector<16xf32>
        %add3A_171 = arith.addf %gather3A_166, %gather3A_167 : vector<16xf32>
        %add3A_172 = arith.addf %gather3A_168, %gather3A_169 : vector<16xf32>
        %add3A_173 = arith.addf %add3A_170, %add3A_171 : vector<16xf32>
        %add3A_174 = arith.addf %add3A_173, %add3A_172 : vector<16xf32>
        %swap3A_175 = arith.index_cast %add3A_160 : i32 to index
        %swap3A_176 = arith.index_cast %mul3A_87 : i32 to index
        %swap3A_177 = tpu.vector_load %arg8[%swap3A_175, %swap3A_176] {strides = array<i32>} : memref<80x704xf32, #tpu.memory_space<vmem>>, vector<16xf32>,
        tpu.vector_store %arg8[%swap3A_175, %swap3A_176], %add3A_174 {strides = array<i32>} : memref<80x704xf32, #tpu.memory_space<vmem>>, vector<16xf32>,
        %mul3A_178 = arith.constant 8 : i32
        %mul3A_179 = arith.muli %scan3A_94, %mul3A_178 : i32
        %add3A_180 = arith.constant 4 : i32
        %add3A_181 = arith.addi %mul3A_179, %add3A_180 : i32
        %broadcast_in_dim3A_182 = vector.broadcast %add3A_181 : i32 to vector<16xi32>
        %get3A_183 = arith.index_cast %add3A_181 : i32 to index
        %get3A_184 = arith.index_cast %mul3A_87 : i32 to index
        %get3A_185 = tpu.vector_load %arg8[%get3A_183, %get3A_184] {strides = array<i32>} : memref<80x704xf32, #tpu.memory_space<vmem>>, vector<16xf32>,
        %gather3A_186 = tpu.vector_load_idx %arg7[%get3A_65, %broadcast_in_dim3A_182] : memref<401x81xf32, #tpu.memory_space<vmem>>[vector<16xi32>, vector<16xi32>], vector<16xf32>,
        %gather3A_187 = tpu.vector_load_idx %arg7[%get3A_70, %broadcast_in_dim3A_182] : memref<401x81xf32, #tpu.memory_space<vmem>>[vector<16xi32>, vector<16xi32>], vector<16xf32>,
        %gather3A_188 = tpu.vector_load_idx %arg7[%get3A_75, %broadcast_in_dim3A_182] : memref<401x81xf32, #tpu.memory_space<vmem>>[vector<16xi32>, vector<16xi32>], vector<16xf32>,
        %gather3A_189 = tpu.vector_load_idx %arg7[%get3A_80, %broadcast_in_dim3A_182] : memref<401x81xf32, #tpu.memory_space<vmem>>[vector<16xi32>, vector<16xi32>], vector<16xf32>,
        %gather3A_190 = tpu.vector_load_idx %arg7[%get3A_85, %broadcast_in_dim3A_182] : memref<401x81xf32, #tpu.memory_space<vmem>>[vector<16xi32>, vector<16xi32>], vector<16xf32>,
        %add3A_191 = arith.addf %get3A_185, %gather3A_186 : vector<16xf32>
        %add3A_192 = arith.addf %gather3A_187, %gather3A_188 : vector<16xf32>
        %add3A_193 = arith.addf %gather3A_189, %gather3A_190 : vector<16xf32>
        %add3A_194 = arith.addf %add3A_191, %add3A_192 : vector<16xf32>
        %add3A_195 = arith.addf %add3A_194, %add3A_193 : vector<16xf32>
        %swap3A_196 = arith.index_cast %add3A_181 : i32 to index
        %swap3A_197 = arith.index_cast %mul3A_87 : i32 to index
        %swap3A_198 = tpu.vector_load %arg8[%swap3A_196, %swap3A_197] {strides = array<i32>} : memref<80x704xf32, #tpu.memory_space<vmem>>, vector<16xf32>,
        tpu.vector_store %arg8[%swap3A_196, %swap3A_197], %add3A_195 {strides = array<i32>} : memref<80x704xf32, #tpu.memory_space<vmem>>, vector<16xf32>,
        %mul3A_199 = arith.constant 8 : i32
        %mul3A_200 = arith.muli %scan3A_94, %mul3A_199 : i32
        %add3A_201 = arith.constant 5 : i32
        %add3A_202 = arith.addi %mul3A_200, %add3A_201 : i32
        %broadcast_in_dim3A_203 = vector.broadcast %add3A_202 : i32 to vector<16xi32>
        %get3A_204 = arith.index_cast %add3A_202 : i32 to index
        %get3A_205 = arith.index_cast %mul3A_87 : i32 to index
        %get3A_206 = tpu.vector_load %arg8[%get3A_204, %get3A_205] {strides = array<i32>} : memref<80x704xf32, #tpu.memory_space<vmem>>, vector<16xf32>,
        %gather3A_207 = tpu.vector_load_idx %arg7[%get3A_65, %broadcast_in_dim3A_203] : memref<401x81xf32, #tpu.memory_space<vmem>>[vector<16xi32>, vector<16xi32>], vector<16xf32>,
        %gather3A_208 = tpu.vector_load_idx %arg7[%get3A_70, %broadcast_in_dim3A_203] : memref<401x81xf32, #tpu.memory_space<vmem>>[vector<16xi32>, vector<16xi32>], vector<16xf32>,
        %gather3A_209 = tpu.vector_load_idx %arg7[%get3A_75, %broadcast_in_dim3A_203] : memref<401x81xf32, #tpu.memory_space<vmem>>[vector<16xi32>, vector<16xi32>], vector<16xf32>,
        %gather3A_210 = tpu.vector_load_idx %arg7[%get3A_80, %broadcast_in_dim3A_203] : memref<401x81xf32, #tpu.memory_space<vmem>>[vector<16xi32>, vector<16xi32>], vector<16xf32>,
        %gather3A_211 = tpu.vector_load_idx %arg7[%get3A_85, %broadcast_in_dim3A_203] : memref<401x81xf32, #tpu.memory_space<vmem>>[vector<16xi32>, vector<16xi32>], vector<16xf32>,
        %add3A_212 = arith.addf %get3A_206, %gather3A_207 : vector<16xf32>
        %add3A_213 = arith.addf %gather3A_208, %gather3A_209 : vector<16xf32>
        %add3A_214 = arith.addf %gather3A_210, %gather3A_211 : vector<16xf32>
        %add3A_215 = arith.addf %add3A_212, %add3A_213 : vector<16xf32>
        %add3A_216 = arith.addf %add3A_215, %add3A_214 : vector<16xf32>
        %swap3A_217 = arith.index_cast %add3A_202 : i32 to index
        %swap3A_218 = arith.index_cast %mul3A_87 : i32 to index
        %swap3A_219 = tpu.vector_load %arg8[%swap3A_217, %swap3A_218] {strides = array<i32>} : memref<80x704xf32, #tpu.memory_space<vmem>>, vector<16xf32>,
        tpu.vector_store %arg8[%swap3A_217, %swap3A_218], %add3A_216 {strides = array<i32>} : memref<80x704xf32, #tpu.memory_space<vmem>>, vector<16xf32>,
        %mul3A_220 = arith.constant 8 : i32
        %mul3A_221 = arith.muli %scan3A_94, %mul3A_220 : i32
        %add3A_222 = arith.constant 6 : i32
        %add3A_223 = arith.addi %mul3A_221, %add3A_222 : i32
        %broadcast_in_dim3A_224 = vector.broadcast %add3A_223 : i32 to vector<16xi32>
        %get3A_225 = arith.index_cast %add3A_223 : i32 to index
        %get3A_226 = arith.index_cast %mul3A_87 : i32 to index
        %get3A_227 = tpu.vector_load %arg8[%get3A_225, %get3A_226] {strides = array<i32>} : memref<80x704xf32, #tpu.memory_space<vmem>>, vector<16xf32>,
        %gather3A_228 = tpu.vector_load_idx %arg7[%get3A_65, %broadcast_in_dim3A_224] : memref<401x81xf32, #tpu.memory_space<vmem>>[vector<16xi32>, vector<16xi32>], vector<16xf32>,
        %gather3A_229 = tpu.vector_load_idx %arg7[%get3A_70, %broadcast_in_dim3A_224] : memref<401x81xf32, #tpu.memory_space<vmem>>[vector<16xi32>, vector<16xi32>], vector<16xf32>,
        %gather3A_230 = tpu.vector_load_idx %arg7[%get3A_75, %broadcast_in_dim3A_224] : memref<401x81xf32, #tpu.memory_space<vmem>>[vector<16xi32>, vector<16xi32>], vector<16xf32>,
        %gather3A_231 = tpu.vector_load_idx %arg7[%get3A_80, %broadcast_in_dim3A_224] : memref<401x81xf32, #tpu.memory_space<vmem>>[vector<16xi32>, vector<16xi32>], vector<16xf32>,
        %gather3A_232 = tpu.vector_load_idx %arg7[%get3A_85, %broadcast_in_dim3A_224] : memref<401x81xf32, #tpu.memory_space<vmem>>[vector<16xi32>, vector<16xi32>], vector<16xf32>,
        %add3A_233 = arith.addf %get3A_227, %gather3A_228 : vector<16xf32>
        %add3A_234 = arith.addf %gather3A_229, %gather3A_230 : vector<16xf32>
        %add3A_235 = arith.addf %gather3A_231, %gather3A_232 : vector<16xf32>
        %add3A_236 = arith.addf %add3A_233, %add3A_234 : vector<16xf32>
        %add3A_237 = arith.addf %add3A_236, %add3A_235 : vector<16xf32>
        %swap3A_238 = arith.index_cast %add3A_223 : i32 to index
        %swap3A_239 = arith.index_cast %mul3A_87 : i32 to index
        %swap3A_240 = tpu.vector_load %arg8[%swap3A_238, %swap3A_239] {strides = array<i32>} : memref<80x704xf32, #tpu.memory_space<vmem>>, vector<16xf32>,
        tpu.vector_store %arg8[%swap3A_238, %swap3A_239], %add3A_237 {strides = array<i32>} : memref<80x704xf32, #tpu.memory_space<vmem>>, vector<16xf32>,
        %mul3A_241 = arith.constant 8 : i32
        %mul3A_242 = arith.muli %scan3A_94, %mul3A_241 : i32
        %add3A_243 = arith.constant 7 : i32
        %add3A_244 = arith.addi %mul3A_242, %add3A_243 : i32
        %broadcast_in_dim3A_245 = vector.broadcast %add3A_244 : i32 to vector<16xi32>
        %get3A_246 = arith.index_cast %add3A_244 : i32 to index
        %get3A_247 = arith.index_cast %mul3A_87 : i32 to index
        %get3A_248 = tpu.vector_load %arg8[%get3A_246, %get3A_247] {strides = array<i32>} : memref<80x704xf32, #tpu.memory_space<vmem>>, vector<16xf32>,
        %gather3A_249 = tpu.vector_load_idx %arg7[%get3A_65, %broadcast_in_dim3A_245] : memref<401x81xf32, #tpu.memory_space<vmem>>[vector<16xi32>, vector<16xi32>], vector<16xf32>,
        %gather3A_250 = tpu.vector_load_idx %arg7[%get3A_70, %broadcast_in_dim3A_245] : memref<401x81xf32, #tpu.memory_space<vmem>>[vector<16xi32>, vector<16xi32>], vector<16xf32>,
        %gather3A_251 = tpu.vector_load_idx %arg7[%get3A_75, %broadcast_in_dim3A_245] : memref<401x81xf32, #tpu.memory_space<vmem>>[vector<16xi32>, vector<16xi32>], vector<16xf32>,
        %gather3A_252 = tpu.vector_load_idx %arg7[%get3A_80, %broadcast_in_dim3A_245] : memref<401x81xf32, #tpu.memory_space<vmem>>[vector<16xi32>, vector<16xi32>], vector<16xf32>,
        %gather3A_253 = tpu.vector_load_idx %arg7[%get3A_85, %broadcast_in_dim3A_245] : memref<401x81xf32, #tpu.memory_space<vmem>>[vector<16xi32>, vector<16xi32>], vector<16xf32>,
        %add3A_254 = arith.addf %get3A_248, %gather3A_249 : vector<16xf32>
        %add3A_255 = arith.addf %gather3A_250, %gather3A_251 : vector<16xf32>
        %add3A_256 = arith.addf %gather3A_252, %gather3A_253 : vector<16xf32>
        %add3A_257 = arith.addf %add3A_254, %add3A_255 : vector<16xf32>
        %add3A_258 = arith.addf %add3A_257, %add3A_256 : vector<16xf32>
        %swap3A_259 = arith.index_cast %add3A_244 : i32 to index
        %swap3A_260 = arith.index_cast %mul3A_87 : i32 to index
        %swap3A_261 = tpu.vector_load %arg8[%swap3A_259, %swap3A_260] {strides = array<i32>} : memref<80x704xf32, #tpu.memory_space<vmem>>, vector<16xf32>,
        tpu.vector_store %arg8[%swap3A_259, %swap3A_260], %add3A_258 {strides = array<i32>} : memref<80x704xf32, #tpu.memory_space<vmem>>, vector<16xf32>,
      }
      %scan3A_93 = arith.constant 10 : i32
    }
    %scan3A_58 = arith.constant 44 : i32
    %mul3A_59 = arith.constant 696 : i32
    %mul3A_60 = arith.muli %sub3A_19, %mul3A_59 : i32
    "tpu.region"() ({
      %run_scoped3A_61 = tpu.sem_alloc : memref<!tpu.dma_semaphore, #tpu.memory_space<semaphore_mem>>
      %dma_start3A = arith.constant 0 : i32
      %dma_start3A_62 = arith.constant 0 : i32
      %dma_start3A_63 = tpu.memref_slice %arg8[%dma_start3A, %dma_start3A_62] : memref<80x704xf32, #tpu.memory_space<vmem>> -> memref<80x696xf32, #tpu.memory_space<vmem>>
      %dma_start3A_64 = arith.constant 0 : i32
      %dma_start3A_65 = tpu.memref_slice %arg5[%select_n3A, %dma_start3A_64, %mul3A_60] : memref<8x80x2784xf32, #tpu.memory_space<hbm>> -> memref<1x80x696xf32, #tpu.memory_space<hbm>>
      %dma_start3A_66 = tpu.memref_squeeze %dma_start3A_65 : memref<1x80x696xf32, #tpu.memory_space<hbm>> -> memref<80x696xf32, #tpu.memory_space<hbm>>
      %dma_start3A_67 = arith.constant 0 : i32
      %dma_start3A_68 = tpu.memref_slice %arg5[%select_n3A, %dma_start3A_67, %mul3A_60] : memref<8x80x2784xf32, #tpu.memory_space<hbm>> -> memref<1x80x696xf32, #tpu.memory_space<hbm>>
      %dma_start3A_69 = tpu.memref_squeeze %dma_start3A_68 : memref<1x80x696xf32, #tpu.memory_space<hbm>> -> memref<80x696xf32, #tpu.memory_space<hbm>>
      %dma_start3A_70 = arith.constant 0 : i32
      %dma_start3A_71 = arith.constant 0 : i32
      %dma_start3A_72 = tpu.memref_slice %arg8[%dma_start3A_70, %dma_start3A_71] : memref<80x704xf32, #tpu.memory_space<vmem>> -> memref<80x696xf32, #tpu.memory_space<vmem>>
      tpu.enqueue_dma source(%dma_start3A_72 : memref<80x696xf32, #tpu.memory_space<vmem>>) target(%dma_start3A_69 : memref<80x696xf32, #tpu.memory_space<hbm>>) target_semaphore(%run_scoped3A_61 : memref<!tpu.dma_semaphore, #tpu.memory_space<semaphore_mem>>)
      %dma_wait3A = arith.constant 0 : i32
      %dma_wait3A_73 = arith.constant 0 : i32
      %dma_wait3A_74 = tpu.memref_slice %arg8[%dma_wait3A, %dma_wait3A_73] : memref<80x704xf32, #tpu.memory_space<vmem>> -> memref<80x696xf32, #tpu.memory_space<vmem>>
      %dma_wait3A_75 = arith.constant 0 : i32
      %dma_wait3A_76 = tpu.memref_slice %arg5[%select_n3A, %dma_wait3A_75, %mul3A_60] : memref<8x80x2784xf32, #tpu.memory_space<hbm>> -> memref<1x80x696xf32, #tpu.memory_space<hbm>>
      %dma_wait3A_77 = tpu.memref_squeeze %dma_wait3A_76 : memref<1x80x696xf32, #tpu.memory_space<hbm>> -> memref<80x696xf32, #tpu.memory_space<hbm>>
      %dma_wait3A_78 = arith.constant 0 : i32
      %dma_wait3A_79 = tpu.memref_slice %arg5[%select_n3A, %dma_wait3A_78, %mul3A_60] : memref<8x80x2784xf32, #tpu.memory_space<hbm>> -> memref<1x80x696xf32, #tpu.memory_space<hbm>>
      %dma_wait3A_80 = tpu.memref_squeeze %dma_wait3A_79 : memref<1x80x696xf32, #tpu.memory_space<hbm>> -> memref<80x696xf32, #tpu.memory_space<hbm>>
      %dma_wait3A_81 = arith.constant 0 : i32
      %dma_wait3A_82 = arith.constant 0 : i32
      %dma_wait3A_83 = tpu.memref_slice %arg8[%dma_wait3A_81, %dma_wait3A_82] : memref<80x704xf32, #tpu.memory_space<vmem>> -> memref<80x696xf32, #tpu.memory_space<vmem>>
      tpu.wait_dma2 semaphore(%run_scoped3A_61 : memref<!tpu.dma_semaphore, #tpu.memory_space<semaphore_mem>>) src(%dma_wait3A_83 : memref<80x696xf32, #tpu.memory_space<vmem>>) dst(%dma_wait3A_80 : memref<80x696xf32, #tpu.memory_space<hbm>>)
      tpu.yield
    }) : () -> ()
    return
  }
}

module attributes {stable_mosaic.version = 14 : i64} {
  func.func @_project_body(%arg0: i32, %arg1: memref<1x8x80x256xf32, #tpu.memory_space<vmem>>, %arg2: memref<1x64x80xf32, #tpu.memory_space<vmem>>, %arg3: memref<256x64xf32, #tpu.memory_space<vmem>>, %arg4: memref<1x64xf32, #tpu.memory_space<vmem>>, %arg5: memref<8x1x80x80xf32, #tpu.memory_space<vmem>>, %arg6: memref<1x8x80x80xf32, #tpu.memory_space<vmem>>) attributes {dimension_semantics = [#tpu.dimension_semantics<arbitrary>], iteration_bounds = array<i64: 46>, scalar_prefetch = 0 : i64, scratch_operands = 0 : i64, tpu.core_type = #tpu.core_type<tc>, window_params = [{transform_indices = @transform_0, window_bounds = array<i64: 1, 8, 80, 256>}, {transform_indices = @transform_1, window_bounds = array<i64: 1, 64, 80>}, {pipeline_mode = #tpu.pipeline_mode<synchronous>, transform_indices = @transform_2, window_bounds = array<i64: 256, 64>}, {pipeline_mode = #tpu.pipeline_mode<synchronous>, transform_indices = @transform_3, window_bounds = array<i64: 1, 64>}, {transform_indices = @transform_4, window_bounds = array<i64: 8, 1, 80, 80>}, {transform_indices = @transform_5, window_bounds = array<i64: 1, 8, 80, 80>}]} {
    %get3A = arith.constant 0 : index
    %get3A_0 = arith.constant 0 : index
    %get3A_1 = arith.constant 0 : index
    %get3A_2 = vector.load %arg2[%get3A, %get3A_0, %get3A_1] : memref<1x64x80xf32, #tpu.memory_space<vmem>>, vector<1x64x80xf32>
    %get3A_3 = vector.shape_cast %get3A_2 : vector<1x64x80xf32> to vector<64x80xf32>
    %get3A_4 = arith.constant 0 : index
    %get3A_5 = arith.constant 0 : index
    %get3A_6 = vector.load %arg3[%get3A_4, %get3A_5] : memref<256x64xf32, #tpu.memory_space<vmem>>, vector<256x64xf32>
    %dot_general3A = arith.constant dense<0.000000e+00> : vector<256x80xf32>
    %dot_general3A_7 = tpu.matmul %get3A_6, %get3A_3, %dot_general3A {dimension_numbers = #tpu.dot_dimension_numbers<[1], [0], [0], [1], [0, 0, 1, 1], [], []>, transpose_lhs_hint = false} : vector<256x64xf32>, vector<64x80xf32>, vector<256x80xf32> -> vector<256x80xf32>
    %get3A_8 = arith.constant 0 : index
    %get3A_9 = arith.constant 0 : index
    %get3A_10 = arith.constant 0 : index
    %get3A_11 = arith.constant 0 : index
    %get3A_12 = vector.load %arg1[%get3A_8, %get3A_9, %get3A_10, %get3A_11] : memref<1x8x80x256xf32, #tpu.memory_space<vmem>>, vector<1x8x80x256xf32>
    %get3A_13 = vector.shape_cast %get3A_12 : vector<1x8x80x256xf32> to vector<8x80x256xf32>
    %reshape3A = vector.shape_cast %get3A_13 : vector<8x80x256xf32> to vector<640x256xf32>
    %dot_general3A_14 = arith.constant dense<0.000000e+00> : vector<640x80xf32>
    %dot_general3A_15 = tpu.matmul %reshape3A, %dot_general3A_7, %dot_general3A_14 {dimension_numbers = #tpu.dot_dimension_numbers<[1], [0], [0], [1], [0, 0, 1, 1], [], []>, transpose_lhs_hint = false} : vector<640x256xf32>, vector<256x80xf32>, vector<640x80xf32> -> vector<640x80xf32>
    %get3A_16 = arith.constant 0 : index
    %get3A_17 = arith.constant 0 : index
    %get3A_18 = vector.load %arg4[%get3A_16, %get3A_17] : memref<1x64xf32, #tpu.memory_space<vmem>>, vector<1x64xf32>
    %dot_general3A_19 = arith.constant dense<0.000000e+00> : vector<1x80xf32>
    %dot_general3A_20 = tpu.matmul %get3A_18, %get3A_3, %dot_general3A_19 {dimension_numbers = #tpu.dot_dimension_numbers<[1], [0], [0], [1], [0, 0, 1, 1], [], []>, transpose_lhs_hint = false} : vector<1x64xf32>, vector<64x80xf32>, vector<1x80xf32> -> vector<1x80xf32>
    %add3A = vector.broadcast %dot_general3A_20 : vector<1x80xf32> to vector<640x80xf32>
    %add3A_21 = arith.addf %dot_general3A_15, %add3A : vector<640x80xf32>
    %reshape3A_22 = vector.shape_cast %add3A_21 : vector<640x80xf32> to vector<8x1x80x80xf32>
    %swap3A = arith.constant 0 : index
    %swap3A_23 = arith.constant 0 : index
    %swap3A_24 = arith.constant 0 : index
    %swap3A_25 = arith.constant 0 : index
    %swap3A_26 = vector.load %arg5[%swap3A, %swap3A_23, %swap3A_24, %swap3A_25] : memref<8x1x80x80xf32, #tpu.memory_space<vmem>>, vector<8x1x80x80xf32>
    tpu.vector_store %arg5[%swap3A, %swap3A_23, %swap3A_24, %swap3A_25], %reshape3A_22 {strides = array<i32>} : memref<8x1x80x80xf32, #tpu.memory_space<vmem>>, vector<8x1x80x80xf32>,
    %transpose3A = tpu.transpose %reshape3A_22, [1, 0, 3, 2] : vector<8x1x80x80xf32> -> vector<1x8x80x80xf32>
    %swap3A_27 = arith.constant 0 : index
    %swap3A_28 = arith.constant 0 : index
    %swap3A_29 = arith.constant 0 : index
    %swap3A_30 = arith.constant 0 : index
    %swap3A_31 = vector.load %arg6[%swap3A_27, %swap3A_28, %swap3A_29, %swap3A_30] : memref<1x8x80x80xf32, #tpu.memory_space<vmem>>, vector<1x8x80x80xf32>
    tpu.vector_store %arg6[%swap3A_27, %swap3A_28, %swap3A_29, %swap3A_30], %transpose3A {strides = array<i32>} : memref<1x8x80x80xf32, #tpu.memory_space<vmem>>, vector<1x8x80x80xf32>,
    return
  }
  func.func @transform_0(%arg0: i32) -> (i32, i32, i32, i32) {
    %min3A = arith.constant 44 : i32
    %min3A_0 = arith.minsi %arg0, %min3A : i32
    %c0_i32 = arith.constant 0 : i32
    %c0_i32_1 = arith.constant 0 : i32
    %c0_i32_2 = arith.constant 0 : i32
    %c0_i32_3 = arith.constant 0 : i32
    return %min3A_0, %c0_i32, %c0_i32_1, %c0_i32_2 : i32, i32, i32, i32
  }
  func.func @transform_1(%arg0: i32) -> (i32, i32, i32) {
    %c0_i32 = arith.constant 0 : i32
    %c0_i32_0 = arith.constant 0 : i32
    %c0_i32_1 = arith.constant 0 : i32
    return %arg0, %c0_i32, %c0_i32_0 : i32, i32, i32
  }
  func.func @transform_2(%arg0: i32) -> (i32, i32) {
    %c0_i32 = arith.constant 0 : i32
    %c0_i32_0 = arith.constant 0 : i32
    %c0_i32_1 = arith.constant 0 : i32
    return %c0_i32, %c0_i32_0 : i32, i32
  }
  func.func @transform_3(%arg0: i32) -> (i32, i32) {
    %c0_i32 = arith.constant 0 : i32
    %c0_i32_0 = arith.constant 0 : i32
    %c0_i32_1 = arith.constant 0 : i32
    return %c0_i32, %c0_i32_0 : i32, i32
  }
  func.func @transform_4(%arg0: i32) -> (i32, i32, i32, i32) {
    %c0_i32 = arith.constant 0 : i32
    %c0_i32_0 = arith.constant 0 : i32
    %c0_i32_1 = arith.constant 0 : i32
    %c0_i32_2 = arith.constant 0 : i32
    return %c0_i32, %arg0, %c0_i32_0, %c0_i32_1 : i32, i32, i32, i32
  }
  func.func @transform_5(%arg0: i32) -> (i32, i32, i32, i32) {
    %c0_i32 = arith.constant 0 : i32
    %c0_i32_0 = arith.constant 0 : i32
    %c0_i32_1 = arith.constant 0 : i32
    %c0_i32_2 = arith.constant 0 : i32
    return %arg0, %c0_i32, %c0_i32_0, %c0_i32_1 : i32, i32, i32, i32
  }
}

module attributes {stable_mosaic.version = 14 : i64} {
  func.func @_combine_body(%arg0: i32, %arg1: i32, %arg2: memref<1x80x3200xbf16, #tpu.memory_space<vmem>>, %arg3: memref<3200x1408xbf16, #tpu.memory_space<vmem>>, %arg4: memref<1x80x1408xf32, #tpu.memory_space<vmem>>) attributes {dimension_semantics = [#tpu.dimension_semantics<arbitrary>, #tpu.dimension_semantics<arbitrary>], iteration_bounds = array<i64: 2, 8>, scalar_prefetch = 0 : i64, scratch_operands = 0 : i64, tpu.core_type = #tpu.core_type<tc>, window_params = [{transform_indices = @transform_0, window_bounds = array<i64: 1, 80, 3200>}, {transform_indices = @transform_1, window_bounds = array<i64: 3200, 1408>}, {transform_indices = @transform_2, window_bounds = array<i64: 1, 80, 1408>}]} {
    %get3A = arith.constant 0 : index
    %get3A_0 = arith.constant 0 : index
    %get3A_1 = arith.constant 0 : index
    %get3A_2 = vector.load %arg2[%get3A, %get3A_0, %get3A_1] : memref<1x80x3200xbf16, #tpu.memory_space<vmem>>, vector<1x80x3200xbf16>
    %get3A_3 = vector.shape_cast %get3A_2 : vector<1x80x3200xbf16> to vector<80x3200xbf16>
    %get3A_4 = arith.constant 0 : index
    %get3A_5 = arith.constant 0 : index
    %get3A_6 = vector.load %arg3[%get3A_4, %get3A_5] : memref<3200x1408xbf16, #tpu.memory_space<vmem>>, vector<3200x1408xbf16>
    %dot_general3A = arith.constant dense<0.000000e+00> : vector<80x1408xf32>
    %dot_general3A_7 = tpu.matmul %get3A_3, %get3A_6, %dot_general3A {dimension_numbers = #tpu.dot_dimension_numbers<[1], [0], [0], [1], [0, 0, 1, 1], [], []>, transpose_lhs_hint = false} : vector<80x3200xbf16>, vector<3200x1408xbf16>, vector<80x1408xf32> -> vector<80x1408xf32>
    %swap3A = arith.constant 0 : index
    %swap3A_8 = arith.constant 0 : index
    %swap3A_9 = arith.constant 0 : index
    %swap3A_10 = vector.load %arg4[%swap3A, %swap3A_8, %swap3A_9] : memref<1x80x1408xf32, #tpu.memory_space<vmem>>, vector<1x80x1408xf32>
    %swap3A_11 = vector.shape_cast %swap3A_10 : vector<1x80x1408xf32> to vector<80x1408xf32>
    %swap3A_12 = vector.shape_cast %dot_general3A_7 : vector<80x1408xf32> to vector<1x80x1408xf32>
    tpu.vector_store %arg4[%swap3A, %swap3A_8, %swap3A_9], %swap3A_12 {strides = array<i32>} : memref<1x80x1408xf32, #tpu.memory_space<vmem>>, vector<1x80x1408xf32>,
    return
  }
  func.func @transform_0(%arg0: i32, %arg1: i32) -> (i32, i32, i32) {
    %c0_i32 = arith.constant 0 : i32
    %c0_i32_0 = arith.constant 0 : i32
    %c0_i32_1 = arith.constant 0 : i32
    return %arg1, %c0_i32, %c0_i32_0 : i32, i32, i32
  }
  func.func @transform_1(%arg0: i32, %arg1: i32) -> (i32, i32) {
    %c0_i32 = arith.constant 0 : i32
    %c0_i32_0 = arith.constant 0 : i32
    return %c0_i32, %arg0 : i32, i32
  }
  func.func @transform_2(%arg0: i32, %arg1: i32) -> (i32, i32, i32) {
    %c0_i32 = arith.constant 0 : i32
    %c0_i32_0 = arith.constant 0 : i32
    return %arg1, %c0_i32, %arg0 : i32, i32, i32
  }
}

module attributes {stable_mosaic.version = 14 : i64} {
  func.func @_final_body(%arg0: i32, %arg1: memref<1x80x2784xf32, #tpu.memory_space<vmem>>, %arg2: memref<1x80x2816xf32, #tpu.memory_space<vmem>>, %arg3: memref<1x80x2784xf32, #tpu.memory_space<vmem>>) attributes {dimension_semantics = [#tpu.dimension_semantics<arbitrary>], iteration_bounds = array<i64: 8>, scalar_prefetch = 0 : i64, scratch_operands = 0 : i64, tpu.core_type = #tpu.core_type<tc>, window_params = [{transform_indices = @transform_0, window_bounds = array<i64: 1, 80, 2784>}, {transform_indices = @transform_1, window_bounds = array<i64: 1, 80, 2816>}, {transform_indices = @transform_2, window_bounds = array<i64: 1, 80, 2784>}]} {
    %get3A = arith.constant 0 : index
    %get3A_0 = arith.constant 0 : index
    %get3A_1 = arith.constant 0 : index
    %get3A_2 = vector.load %arg1[%get3A, %get3A_0, %get3A_1] : memref<1x80x2784xf32, #tpu.memory_space<vmem>>, vector<1x80x2784xf32>
    %get3A_3 = arith.constant 0 : index
    %get3A_4 = arith.constant 0 : index
    %get3A_5 = arith.constant 0 : index
    %get3A_6 = vector.load %arg2[%get3A_3, %get3A_4, %get3A_5] : memref<1x80x2816xf32, #tpu.memory_space<vmem>>, vector<1x80x2784xf32>
    %add3A = arith.addf %get3A_2, %get3A_6 : vector<1x80x2784xf32>
    %swap3A = arith.constant 0 : index
    %swap3A_7 = arith.constant 0 : index
    %swap3A_8 = arith.constant 0 : index
    %swap3A_9 = vector.load %arg3[%swap3A, %swap3A_7, %swap3A_8] : memref<1x80x2784xf32, #tpu.memory_space<vmem>>, vector<1x80x2784xf32>
    tpu.vector_store %arg3[%swap3A, %swap3A_7, %swap3A_8], %add3A {strides = array<i32>} : memref<1x80x2784xf32, #tpu.memory_space<vmem>>, vector<1x80x2784xf32>,
    return
  }
  func.func @transform_0(%arg0: i32) -> (i32, i32, i32) {
    %c0_i32 = arith.constant 0 : i32
    %c0_i32_0 = arith.constant 0 : i32
    %c0_i32_1 = arith.constant 0 : i32
    return %arg0, %c0_i32, %c0_i32_0 : i32, i32, i32
  }
  func.func @transform_1(%arg0: i32) -> (i32, i32, i32) {
    %c0_i32 = arith.constant 0 : i32
    %c0_i32_0 = arith.constant 0 : i32
    %c0_i32_1 = arith.constant 0 : i32
    return %arg0, %c0_i32, %c0_i32_0 : i32, i32, i32
  }
  func.func @transform_2(%arg0: i32) -> (i32, i32, i32) {
    %c0_i32 = arith.constant 0 : i32
    %c0_i32_0 = arith.constant 0 : i32
    %c0_i32_1 = arith.constant 0 : i32
    return %arg0, %c0_i32, %c0_i32_0 : i32, i32, i32
  }
}

</mosaic_0001>

<sc_bundles>
// kernel: kernel.6.cloned.1.call-start
scs
__scs_entry_jumppad:
0x0: {  	(pc) =	sbr.rel $0x88, $3  }
0x1: {  	(tag) =	ssettag $0x0;
	lr =	simm.s32 $0x1  }
0x2: {  	[smem:$0x3F9A] =	sst lr;
	_ =	strace $0xD0000000  }
0x3: {  	_ = 	snop  }
0x4: {  	_ = 	snop  }
0x5: {  	_ = 	snop  }
0x6: {  	_ = 	snop  }
0x7: {  	_ = 	snop  }
__scs_overlays_trampoline_lowered:
0x8: {  	[smem:$0x3FA9] =	sst s0  }
0x9: {  	[smem:$0x3FAA] =	sst s1  }
0xa: {  	[smem:$0x3FAB] =	sst s2  }
0xb: {  	[smem:$0x3FAC] =	sst s3  }
0xc: {  	[smem:$0x3FAD] =	sst s4  }
0xd: {  	[smem:$0x3FAE] =	sst s5  }
0xe: {  	[smem:$0x3FAF] =	sst s6  }
0xf: {  	[smem:$0x3FB0] =	sst s7  }
0x10: {  	[smem:$0x3FB1] =	sst s8  }
0x11: {  	[smem:$0x3FB2] =	sst s9;
	s0 =	simm.s32 @!p0 $0x0  }
0x12: {  	s1 =	sld [smem:$0x3F98];
	s0 =	simm.s32 @p0 $0x1  }
0x13: {  	[smem:$0x3FB3] =	sst s0;
	s0 =	simm.s32 @!p1 $0x0  }
0x14: {  	s2 =	sld [smem:$0x3F97];
	s0 =	simm.s32 @p1 $0x1  }
0x15: {  	[smem:$0x3FB4] =	sst s0;
	s0 =	simm.s32 @!p2 $0x0  }
0x16: {  	s3 =	sld [smem:$0x3FDB];
	s0 =	simm.s32 @p2 $0x1  }
0x17: {  	s4 =	simm.s32 $0x1BF5;
	[smem:$0x3FB6] =	sst s0  }
0x18: {  	s0 =	sld [smem:$0x3F99];
	_ =	swait.ge [sflag:s4], $0x0  }
0x19: {  	s7 =	sld [smem:$0x3F9A]  }
0x1a: {  	s8 =	sadd.s32 $0xFFFFE003, lr  }
0x1b: {  	s9 =	sadd.s32 $0xFFFFFEF7, lr;
	s5 =	simm.s32 $0xFFFFFFFF;
	p2 =	slt.u32 s8, $0xFFFFF086  }
0x1c: {  	p1 =	slt.u32 s9, $0xF7A;
	s5 =	simm.s32 @!p2 $0x0  }
0x1d: {  	s5 =	simm.s32 @p1 $0x1;
	p0 =	seq.s32 s7, s2  }
0x1e: {  	s7 =	smul.u32 @!p0 $0xF7A, s2;
	p2 =	seq.s32 @!p0 s5, $0x0  }
0x1f: {  	s9 =	smul.u32 $0xF7A, s1;
	s8 =	simm.s32 @!p0 $0x1BF5;
	p2 =	por !p2, p0  }
0x20: {  	[sflag:s8] =	ssyncset.s32 @!p0 $0xFFFFF086;
	s6 =	sadd.s32 @!p0 s3, s7;
	s7 =	simm.s32 @!p0 $0x108  }
0x21: {  	s3 =	sadd.s32 s3, s9;
	s6 =	sadd.s32 @!p0 $0x88, s6;
	s7 =	simm.s32 @p2 $0x1082  }
0x22: {  	[simem:s7], [sflag:s8] =	dma.local @!p0 [hbm:s6], $0xF7A  }
0x23: {  	s9 =	sor.u32 $0xD0000000, s2;
	s6 =	simm.s32 $0x108;
	_ =	swait.ge @!p0 [sflag:s8], $0x0  }
0x24: {  	s3 =	sadd.s32 $0x88, s3;
	s6 =	simm.s32 @!p1 $0x1082;
	[sflag:s4] =	ssyncset.s32 $0xFFFFF086  }
0x25: {  	[simem:s6], [sflag:s4] =	dma.local [hbm:s3], $0xF7A  }
0x26: {  	[smem:$0x3F9A] =	sst s1;
	(tag) =	ssettag s2;
	_ =	strace s9  }
0x27: {  	s1 =	sld [smem:$0x3FAA]  }
0x28: {  	s2 =	sld [smem:$0x3FAB]  }
0x29: {  	s4 =	sld [smem:$0x3FAD]  }
0x2a: {  	p0 =	seq.s32 s5, $0x0;
	s5 =	sld [smem:$0x3FAE]  }
0x2b: {  	s6 =	sld [smem:$0x3FAF]  }
0x2c: {  	s7 =	sld [smem:$0x3FB0]  }
0x2d: {  	s3 =	simm.s32 $0x108;
	s8 =	sld [smem:$0x3FB1]  }
0x2e: {  	s3 =	simm.s32 @!p0 $0x1082;
	s9 =	sld [smem:$0x3FB2]  }
0x2f: {  	lr =	sadd.s32 s0, s3;
	s0 =	sld [smem:$0x3FA9]  }
0x30: {  	s3 =	sld [smem:$0x3FAC]  }
0x31: {  	[smem:$0x3FB5] =	sst s10  }
0x32: {  	s10 =	sld [smem:$0x3FB3];
	_ =	sdelay $0x3  }
0x33: {  	p0 =	seq.s32 s10, $0x1;
	s10 =	sld [smem:$0x3FB5];
	_ =	sdelay $0x3  }
0x34: {  	[smem:$0x3FB5] =	sst s10  }
0x35: {  	s10 =	sld [smem:$0x3FB4];
	_ =	sdelay $0x3  }
0x36: {  	p1 =	seq.s32 s10, $0x1;
	s10 =	sld [smem:$0x3FB5];
	_ =	sdelay $0x3  }
0x37: {  	[smem:$0x3FB5] =	sst s10  }
0x38: {  	s10 =	sld [smem:$0x3FB6]  }
0x39: {  	_ = 	snop;
	(pc) =	sbr.ind lr, $3  }
0x3a: {  	_ = 	snop  }
0x3b: {  	_ = 	snop  }
0x3c: {  	p2 =	seq.s32 s10, $0x1;
	s10 =	sld [smem:$0x3FB5]  }
0x3d: {  	_ =	shalt  }
0x3e: {  	_ =	shalt  }
0x3f: {  	_ =	shalt  }
0x40: {  	_ =	shalt  }
0x41: {  	_ =	shalt  }
0x42: {  	_ =	shalt  }
0x43: {  	_ =	shalt  }
0x44: {  	_ =	shalt  }
0x45: {  	_ =	shalt  }
0x46: {  	_ =	shalt  }
0x47: {  	_ =	shalt  }
0x48: {  	_ =	shalt  }
0x49: {  	_ =	shalt  }
0x4a: {  	_ =	shalt  }
0x4b: {  	_ =	shalt  }
0x4c: {  	_ =	shalt  }
0x4d: {  	_ =	shalt  }
0x4e: {  	_ =	shalt  }
0x4f: {  	_ =	shalt  }
0x50: {  	_ =	shalt  }
0x51: {  	_ =	shalt  }
0x52: {  	_ =	shalt  }
0x53: {  	_ =	shalt  }
0x54: {  	_ =	shalt  }
0x55: {  	_ =	shalt  }
0x56: {  	_ =	shalt  }
0x57: {  	_ =	shalt  }
0x58: {  	_ =	shalt  }
0x59: {  	_ =	shalt  }
0x5a: {  	_ =	shalt  }
0x5b: {  	_ =	shalt  }
0x5c: {  	_ =	shalt  }
0x5d: {  	_ =	shalt  }
0x5e: {  	_ =	shalt  }
0x5f: {  	_ =	shalt  }
0x60: {  	_ =	shalt  }
0x61: {  	_ =	shalt  }
0x62: {  	_ =	shalt  }
0x63: {  	_ =	shalt  }
0x64: {  	_ =	shalt  }
0x65: {  	_ =	shalt  }
0x66: {  	_ =	shalt  }
0x67: {  	_ =	shalt  }
0x68: {  	_ =	shalt  }
0x69: {  	_ =	shalt  }
0x6a: {  	_ =	shalt  }
0x6b: {  	_ =	shalt  }
0x6c: {  	_ =	shalt  }
0x6d: {  	_ =	shalt  }
0x6e: {  	_ =	shalt  }
0x6f: {  	_ =	shalt  }
0x70: {  	_ =	shalt  }
0x71: {  	_ =	shalt  }
0x72: {  	_ =	shalt  }
0x73: {  	_ =	shalt  }
0x74: {  	_ =	shalt  }
0x75: {  	_ =	shalt  }
0x76: {  	_ =	shalt  }
0x77: {  	_ =	shalt  }
0x78: {  	_ =	shalt  }
0x79: {  	_ =	shalt  }
0x7a: {  	_ =	shalt  }
0x7b: {  	_ =	shalt  }
0x7c: {  	_ =	shalt  }
0x7d: {  	_ =	shalt  }
0x7e: {  	_ =	shalt  }
0x7f: {  	_ =	shalt  }
0x80: {  	_ =	shalt  }
0x81: {  	_ =	shalt  }
0x82: {  	_ =	shalt  }
0x83: {  	_ =	shalt  }
0x84: {  	_ =	shalt  }
0x85: {  	_ =	shalt  }
0x86: {  	_ =	shalt  }
0x87: {  	_ =	shalt  }
.Lfunc_end0:
.L_simem_size_0:
called_computation_lowered:
.L_overlay_start_0:
0x88: {  	s2 =	sld [smem:$0x3FD9]  }
0x89: {  	s3 =	sld [smem:$0x3FFE];
	_ =	sdelay $0x1  }
0x8a: {  	s1 =	srdreg.scid  }
0x8b: {  	s0 =	sand.u32 $0x1, s1  }
0x8c: {  	s17 =	sshll.u32 s0, $0xA;
	s2 =	sadd.s32 s3, s2  }
0x8d: {  	s2 =	sadd.s32 s2, s17  }
0x8e: {  	[smem:$0x3FC1] =	sst s2  }
0x8f: {  	_ = 	snop  }
0x90: {  	s2 =	sld [smem:$0x3FD0];
	(tm) =	ssettm $0x1  }
0x91: {  	s18 =	sld [smem:$0x3FFB];
	_ =	sdelay $0x3  }
0x92: {  	_ =	strace s18  }
0x93: {  	s3 =	sld [smem:$0x3FFC];
	_ =	sdelay $0x3  }
0x94: {  	_ =	strace s3  }
0x95: {  	s3 =	sld [smem:$0x3FFD];
	_ =	sdelay $0x3  }
0x96: {  	_ =	strace s3  }
0x97: {  	_ =	strace $0x8FFFFFFF  }
0x98: {  	s19 =	sld [smem:$0x3FDB];
	_ =	sdelay $0x1  }
0x99: {  	s4 =	simm.s32 $_scs_section_size  }
0x9a: {  	s5 =	simm.s32 $_size__tile_overlayer_lowered;
	s6 =	simm.s32 $_tile_overlayer_lowered  }
0x9b: {  	s22 =	simm.s32 $0x1BFF;
	s21 =	sshll.u32 s6, $0x1;
	s3 =	sadd.s32 s4, s19  }
0x9c: {  	s7 =	simm.s32 $0x0;
	s20 =	sshll.u32 s5, $0x1;
	s5 =	sadd.s32 s21, s3  }
0x9d: {  	[timem:s7], [sflag:s22] =	dma.local [hbm:s5], s20  }
0x9e: {  	_ =	swait.ge [sflag:s22], s20  }
0x9f: {  	s4 =	ssub.s32 $0x0, s20;
	[sflag:s22] =	ssyncset.done $0x0  }
0xa0: {  	[sflag:s22] =	ssyncadd.s32 s4;
	_ =	sdelay $0x1  }
0xa1: {  	s23 =	simm.s32 $0x1B8B  }
0xa2: {  	_ =	swait.ge [sflag:s23], $0x1  }
0xa3: {  	[sflag:s23] =	ssyncset.done $0x0  }
0xa4: {  	s25 =	simm.s32 $0x1B8E;
	s24 =	sld [smem:$0x3FFE];
	[sflag:s23] =	ssyncadd.s32 $0xFFFFFFFF  }
0xa5: {  	s26 =	simm.s32 $execute0_lowered;
	[smem:$0x3FD2] =	sst s25  }
0xa6: {  	s5 =	sshll.u32 s26, $0x1;
	_ =	strace $0x80000046;
	[dreg:$0x1] =	wrdreg $0xFFFFFFFF  }
0xa7: {  	s28 =	simm.s32 $_size_execute0_lowered;
	s3 =	sadd.s32 s3, s5;
	[dreg:$0x0] =	wrdreg $0x0  }
0xa8: {  	s5 =	sshll.u32 s28, $0x1;
	[dreg:$0x2] =	wrdreg s3  }
0xa9: {  	[dreg:$0x3] =	wrdreg s5  }
0xaa: {  	[dreg:$0x4] =	wrdreg $0xC0  }
0xab: {  	_ =	task [dreg:s7], $0x5FFFF  }
0xac: {  	[dreg:$0x1] =	wrdreg $0xFFFFFFFF  }
0xad: {  	[dreg:$0x0] =	wrdreg $0x60  }
0xae: {  	[dreg:$0x2] =	wrdreg s2  }
0xaf: {  	[dreg:$0x3] =	wrdreg s24  }
0xb0: {  	[dreg:$0x4] =	wrdreg $0x9  }
0xb1: {  	_ =	task.clear_ibuf [dreg:s7], $0x5FFFF;
	_ =	strace $0x90000046  }
0xb2: {  	s29 =	simm.s32 $0x9;
	_ =	strace $0x80000048  }
0xb3: {  	_ =	swait.ge [sflag:s29], $0x1  }
0xb4: {  	[sflag:s29] =	ssyncadd.s32 $0xFFFFFFFF  }
0xb5: {  	_ =	strace $0x90000048  }
0xb6: {  	_ =	sfence  }
0xb7: {  	s30 =	sld [smem:$0x0];
	_ =	sdelay $0x2  }
0xb8: {  	s31 =	sshll.u32 s1, $0xD;
	s1 =	sshrl.u32 s1, $0x2  }
0xb9: {  	s3 =	sand.u32 $0x4000, s31;
	s1 =	sadd.s32 s1, s30  }
0xba: {  	s0 =	sor.u32 s3, s0;
	s1 =	sshll.u32 s1, $0x11  }
0xbb: {  	s0 =	sor.u32 s1, s0  }
0xbc: {  	s0 =	sadd.s32 $0x8F2B, s0  }
0xbd: {  	[sflag:s0] =	ssyncadd.remote.s32 $0x1  }
0xbe: {  	_ =	sfence.sel $0xFFFF  }
0xbf: {  	[dreg:$0x0] =	wrdreg $0xFFFFFFFF;
	(pc) =	sbr.abs _section_cstart, $3  }
0xc0: {  	[dreg:$0x1] =	wrdreg $0xFFFFFFFF  }
0xc1: {  	_ =	task.clear_ibuf [dreg:s7], $0x2FFFF;
	_ =	strace $0x9FFFFFFF  }
0xc2: {  	(tm) =	ssettm $0x7FFFFFFF  }
0xc3: {  	_ =	shalt  }
tec
execute0_lowered:
.L_overlay_start_1:
0x0: {  	(tag) =	ssettag $0x1  }
0x1: {  	s1 =	srdreg.scid;
	s0 =	stileid.u32  }
0x2: {  	s3 =	sand.u32 $0x1, s1;
	s28 =	sshll.u32 s0, $0x1;
	s4 =	sshrl.u32 s0, $0x1  }
0x3: {  	s1 =	sor.u32 s3, s28;
	s2 =	sshll.u32 s4, $0x2;
	s10 =	smul.u32 $0x36600, s4  }
0x4: {  	s6 =	rddreg [dreg:$0x0];
	s11 =	smul.u32 $0xFA0, s4;
	s5 =	ssub.s32 s1, s2  }
0x5: {  	s8 =	rddreg [dreg:$0x1];
	s3 =	ssub.s32 $0x2, s3;
	s7 =	smul.u32 $0xDC00, s5  }
0x6: {  	s1 =	rddreg [dreg:$0x2];
	s2 =	simm.s32 $0x0;
	s9 =	smul.u32 $0xDC0, s5  }
0x7: {  	s29 =	sshrl.u32 s3, $0x1;
	[smem:$0x7FF] =	sst s2;
	s5 =	smul.u32 $0x2B8, s5  }
0x8: {  	s31 =	ssub.s32 s3, s29;
	_ =	strace $0x80000047;
	s7 =	sshrl.u32 s7, $0x3  }
0x9: {  	s9 =	sshrl.u32 s9, $0x3;
	s5 =	sadd.s32 s10, s5;
	s10 =	simm.s32 $0xDC0  }
0xa: {  	s7 =	sadd.s32 s7, s8;
	s5 =	sshrl.u32 s5, $0x3;
	s30 =	sadd.s32 s9, s8  }
0xb: {  	s9 =	simm.s32 $0x1;
	s8 =	sadd.s32 s5, s8;
	s3 =	sadd.s32 $0x2400, s7  }
0xc: {  	v1 =	vimm.s32 $0x0;
	vm0 =	vcmask $0x300;
	s4 =	sadd.s32 $0x9200, s30;
	s5 =	sadd.s32 s6, s11;
	s7 =	smax.u32 s31, $0x1  }
0xd: {  	v0 =	vimm.f32 $0.0e+00;
	v1 =	vsel vm0, $0x3, v1;
	s11 =	simm.s32 $0x0;
	s6 =	sadd.s32 $0x9A00, s8;
	s8 =	simm.s32 $0x9798  }
.LBB2_1:
0xe: {  	[tilespmem:$0x9740] =	vst v0  }
0xf: {  	[tilespmem:$0x9750] =	vst v0  }
0x10: {  	[tilespmem:$0x9760] =	vst v0  }
0x11: {  	[tilespmem:$0x9770] =	vst v0  }
0x12: {  	[tilespmem:$0x9780] =	vst v0  }
0x13: {  	[tilespmem:s8], [sflag:$0x1] =	stream.linear.gather [hbm4b:s3+s2], $0xDC00, $0x38;
	[tilespmem:$0x17398] =	vst v63  }
0x14: {  	_ =	swait.ge [sflag:s9], $0xDC00  }
0x15: {  	[sflag:s9] =	ssyncset.done $0x0  }
0x16: {  	[sflag:s9] =	ssyncadd.s32 $0xFFFF2400  }
0x17: {  	[tilespmem:s2], [sflag:$0x1] =	stream.linear.gather [hbm4b:s4+s2], $0xDC0, $0x38;
	[tilespmem:$0x17398] =	vst v63  }
0x18: {  	_ =	swait.ge [sflag:s9], $0xDC0  }
0x19: {  	s12 =	simm.s32 $0xA;
	s15 =	sadd.s32 $0x0, s5;
	[sflag:s9] =	ssyncset.done $0x0  }
0x1a: {  	s13 =	simm.s32 $0xE18;
	s14 =	simm.s32 $0xDC0;
	[sflag:s9] =	ssyncadd.s32 $0xFFFFF240  }
.LBB2_2:
0x1b: {  	[tilespmem:s14], [sflag:$0x1] =	stream.linear.gather [hbm4b:s15+s2], $0x50, $0x38;
	[tilespmem:$0x17398] =	vst v63  }
0x1c: {  	s15 =	smov.u32 s12;
	s14 =	smov.u32 s13;
	p0 =	sne.s32 s12, $0xF96  }
.Ltmp0:
0x1d: {  	s12 =	sadd.s32 $0xA, s12;
	(pc) =	sbr.rel @p0 .LBB2_2-.Ltmp0, $2  }
0x1e: {  	_ =	sdelay $0x2  }
0x1f: {  	s13 =	sadd.s32 $0x58, s13;
	s15 =	sadd.s32 s15, s5  }
0x20: {  	[tilespmem:s14], [sflag:$0x1] =	stream.linear.gather [hbm4b:s15+s2], $0x50, $0x38;
	[tilespmem:$0x17398] =	vst v63  }
0x21: {  	_ =	swait.ge [sflag:s9], $0x7D00  }
0x22: {  	[sflag:s9] =	ssyncset.done $0x0  }
0x23: {  	s12 =	simm.s32 $0x0;
	s13 =	simm.s32 $0xA298;
	[sflag:s9] =	ssyncadd.s32 $0xFFFF8300  }
.LBB2_4:
0x24: {  	s14 =	smul.u32 $0x140, s12;
	_ =	sdelay $0x1  }
0x25: {  	s14 =	sshra.s32 s14, $0x2  }
0x26: {  	v2 =	vld [tilespmem:s14+$0x20]  }
0x27: {  	s15 =	simm.s32 $0x0;
	v3 =	vld [tilespmem:s14+$0x0]  }
0x28: {  	v5 =	vmov s15;
	v4 =	vld [tilespmem:s14+$0x10]  }
0x29: {  	v5 =	vshrl.u32 v5, $0x3;
	v6 =	vld [tilespmem:s14+$0x30]  }
0x2a: {  	v7 =	vld [tilespmem:s14+$0x40];
	v5 =	vshll.u32 v5, v1  }
0x2b: {  	v8 =	vbroadcast v5, $0x0;
	v2 =	vmul.u32 $0x58, v2  }
0x2c: {  	v3 =	vmul.u32 $0x58, v3  }
0x2d: {  	v4 =	vmul.u32 $0x58, v4;
	v9 =	vadd.s32 v2, v8  }
0x2e: {  	v5 =	vmul.u32 $0x58, v6;
	v10 =	vadd.s32 v3, v8  }
0x2f: {  	v6 =	vmul.u32 $0x58, v7;
	v7 =	vadd.s32 v4, v8  }
0x30: {  	v11 =	vadd.s32 v5, v8  }
0x31: {  	v12 =	vld [tilespmem:s13+$0xFFFFF500];
	v8 =	vadd.s32 v6, v8  }
0x32: {  	v9 =	vld.idx.msk [tilespmem:v9+s10+$0x0], $0xffff  }
0x33: {  	v10 =	vld.idx.msk [tilespmem:v10+s10+$0x0], $0xffff  }
0x34: {  	v7 =	vld.idx.msk [tilespmem:v7+s10+$0x0], $0xffff  }
0x35: {  	s24 =	simm.s32 $0x1;
	v11 =	vld.idx.msk [tilespmem:v11+s10+$0x0], $0xffff  }
0x36: {  	v13 =	vld.idx.msk [tilespmem:v8+s10+$0x0], $0xffff;
	v8 =	vmov s24  }
0x37: {  	v8 =	vshrl.u32 v8, $0x3  }
0x38: {  	v8 =	vshll.u32 v8, v1  }
0x39: {  	v10 =	vadd.f32 v10, v12;
	v9 =	vadd.f32 v9, v7;
	v12 =	vbroadcast v8, $0x0  }
0x3a: {  	v7 =	vor.u32 $0x1, v3;
	v8 =	vor.u32 $0x1, v4  }
0x3b: {  	v11 =	vadd.f32 v13, v11;
	v13 =	vadd.f32 v9, v10;
	v14 =	vadd.s32 v7, v12  }
0x3c: {  	v9 =	vor.u32 $0x1, v2;
	v15 =	vadd.s32 v8, v12  }
0x3d: {  	v10 =	vor.u32 $0x1, v6;
	v16 =	vadd.s32 v9, v12;
	v13 =	vadd.f32 v11, v13  }
0x3e: {  	v17 =	vadd.s32 v10, v12;
	v11 =	vor.u32 $0x1, v5  }
0x3f: {  	v12 =	vadd.s32 v11, v12;
	[tilespmem:s13+$0xFFFFF500] =	vst v13;
	v13 =	vld [tilespmem:s13+$0xFFFFF7C0]  }
0x40: {  	v14 =	vld.idx.msk [tilespmem:v14+s10+$0x0], $0xffff  }
0x41: {  	v15 =	vld.idx.msk [tilespmem:v15+s10+$0x0], $0xffff  }
0x42: {  	v16 =	vld.idx.msk [tilespmem:v16+s10+$0x0], $0xffff  }
0x43: {  	s25 =	simm.s32 $0x2;
	v17 =	vld.idx.msk [tilespmem:v17+s10+$0x0], $0xffff  }
0x44: {  	v18 =	vld.idx.msk [tilespmem:v12+s10+$0x0], $0xffff;
	v12 =	vmov s25  }
0x45: {  	v12 =	vshrl.u32 v12, $0x3  }
0x46: {  	v12 =	vshll.u32 v12, v1  }
0x47: {  	v14 =	vadd.f32 v14, v13;
	v15 =	vadd.f32 v16, v15;
	v19 =	vbroadcast v12, $0x0  }
0x48: {  	v13 =	vor.u32 $0x2, v4;
	v12 =	vor.u32 $0x2, v3  }
0x49: {  	v16 =	vadd.f32 v17, v18;
	v17 =	vadd.f32 v15, v14;
	v18 =	vadd.s32 v12, v19  }
0x4a: {  	v14 =	vor.u32 $0x2, v2;
	v20 =	vadd.s32 v13, v19  }
0x4b: {  	v15 =	vor.u32 $0x2, v6;
	v21 =	vadd.s32 v14, v19;
	v17 =	vadd.f32 v16, v17  }
0x4c: {  	v22 =	vadd.s32 v15, v19;
	v16 =	vor.u32 $0x2, v5  }
0x4d: {  	v19 =	vadd.s32 v16, v19;
	[tilespmem:s13+$0xFFFFF7C0] =	vst v17;
	v17 =	vld [tilespmem:s13+$0xFFFFFA80]  }
0x4e: {  	v18 =	vld.idx.msk [tilespmem:v18+s10+$0x0], $0xffff  }
0x4f: {  	v20 =	vld.idx.msk [tilespmem:v20+s10+$0x0], $0xffff  }
0x50: {  	v21 =	vld.idx.msk [tilespmem:v21+s10+$0x0], $0xffff  }
0x51: {  	s26 =	simm.s32 $0x3;
	v22 =	vld.idx.msk [tilespmem:v22+s10+$0x0], $0xffff  }
0x52: {  	v23 =	vmov s26;
	v19 =	vld.idx.msk [tilespmem:v19+s10+$0x0], $0xffff  }
0x53: {  	v23 =	vshrl.u32 v23, $0x3  }
0x54: {  	v23 =	vshll.u32 v23, v1  }
0x55: {  	v23 =	vbroadcast v23, $0x0;
	v24 =	vadd.f32 v18, v17;
	v20 =	vadd.f32 v21, v20  }
0x56: {  	v17 =	vor.u32 $0x3, v3;
	v18 =	vor.u32 $0x3, v4  }
0x57: {  	v21 =	vadd.f32 v22, v19;
	v22 =	vadd.f32 v20, v24;
	v24 =	vadd.s32 v17, v23  }
0x58: {  	v25 =	vadd.s32 v18, v23;
	v19 =	vor.u32 $0x3, v2  }
0x59: {  	v20 =	vor.u32 $0x3, v6;
	v26 =	vadd.s32 v19, v23;
	v22 =	vadd.f32 v21, v22  }
0x5a: {  	v27 =	vadd.s32 v20, v23;
	v21 =	vor.u32 $0x3, v5  }
0x5b: {  	v23 =	vadd.s32 v21, v23;
	[tilespmem:s13+$0xFFFFFA80] =	vst v22;
	v22 =	vld [tilespmem:s13+$0xFFFFFD40]  }
0x5c: {  	v24 =	vld.idx.msk [tilespmem:v24+s10+$0x0], $0xffff  }
0x5d: {  	v25 =	vld.idx.msk [tilespmem:v25+s10+$0x0], $0xffff  }
0x5e: {  	v26 =	vld.idx.msk [tilespmem:v26+s10+$0x0], $0xffff  }
0x5f: {  	s28 =	simm.s32 $0x4;
	v27 =	vld.idx.msk [tilespmem:v27+s10+$0x0], $0xffff  }
0x60: {  	v28 =	vld.idx.msk [tilespmem:v23+s10+$0x0], $0xffff;
	v23 =	vmov s28  }
0x61: {  	v23 =	vshrl.u32 v23, $0x3  }
0x62: {  	v23 =	vshll.u32 v23, v1  }
0x63: {  	v24 =	vadd.f32 v24, v22;
	v25 =	vadd.f32 v26, v25;
	v29 =	vbroadcast v23, $0x0  }
0x64: {  	v22 =	vor.u32 $0x4, v3;
	v23 =	vor.u32 $0x4, v4  }
0x65: {  	v26 =	vadd.f32 v27, v28;
	v27 =	vadd.f32 v25, v24;
	v28 =	vadd.s32 v22, v29  }
0x66: {  	v24 =	vor.u32 $0x4, v2;
	v30 =	vadd.s32 v23, v29  }
0x67: {  	v25 =	vor.u32 $0x4, v6;
	v31 =	vadd.s32 v24, v29;
	v27 =	vadd.f32 v26, v27  }
0x68: {  	v32 =	vadd.s32 v25, v29;
	v26 =	vor.u32 $0x4, v5  }
0x69: {  	v29 =	vadd.s32 v26, v29;
	[tilespmem:s13+$0xFFFFFD40] =	vst v27;
	v27 =	vld [tilespmem:s13+$0x0]  }
0x6a: {  	v28 =	vld.idx.msk [tilespmem:v28+s10+$0x0], $0xffff  }
0x6b: {  	v30 =	vld.idx.msk [tilespmem:v30+s10+$0x0], $0xffff  }
0x6c: {  	v31 =	vld.idx.msk [tilespmem:v31+s10+$0x0], $0xffff  }
0x6d: {  	s29 =	simm.s32 $0x5;
	v32 =	vld.idx.msk [tilespmem:v32+s10+$0x0], $0xffff  }
0x6e: {  	v33 =	vmov s29;
	v29 =	vld.idx.msk [tilespmem:v29+s10+$0x0], $0xffff  }
0x6f: {  	v33 =	vshrl.u32 v33, $0x3  }
0x70: {  	v33 =	vshll.u32 v33, v1  }
0x71: {  	v33 =	vbroadcast v33, $0x0;
	v34 =	vadd.f32 v28, v27;
	v30 =	vadd.f32 v31, v30  }
0x72: {  	v27 =	vor.u32 $0x5, v3;
	v28 =	vor.u32 $0x5, v2  }
0x73: {  	v54 =	vadd.s32 v28, v33;
	v31 =	vadd.f32 v32, v29;
	v53 =	vadd.f32 v30, v34  }
0x74: {  	v35 =	vadd.s32 v27, v33;
	v29 =	vor.u32 $0x5, v4  }
0x75: {  	v30 =	vor.u32 $0x5, v5;
	v36 =	vadd.s32 v29, v33;
	v32 =	vadd.f32 v31, v53  }
0x76: {  	v37 =	vadd.s32 v30, v33;
	v31 =	vor.u32 $0x5, v6  }
0x77: {  	v55 =	vld [tilespmem:s13+$0x2C0];
	v33 =	vadd.s32 v31, v33;
	[tilespmem:s13+$0x0] =	vst v32  }
0x78: {  	v34 =	vld.idx.msk [tilespmem:v54+s10+$0x0], $0xffff  }
0x79: {  	v35 =	vld.idx.msk [tilespmem:v35+s10+$0x0], $0xffff  }
0x7a: {  	v36 =	vld.idx.msk [tilespmem:v36+s10+$0x0], $0xffff  }
0x7b: {  	s30 =	simm.s32 $0x6;
	v37 =	vld.idx.msk [tilespmem:v37+s10+$0x0], $0xffff  }
0x7c: {  	v56 =	vmov s30;
	v38 =	vld.idx.msk [tilespmem:v33+s10+$0x0], $0xffff  }
0x7d: {  	v33 =	vshrl.u32 v56, $0x3  }
0x7e: {  	v33 =	vshll.u32 v33, v1  }
0x7f: {  	v35 =	vadd.f32 v35, v55;
	v39 =	vbroadcast v33, $0x0;
	v34 =	vadd.f32 v34, v36  }
0x80: {  	v32 =	vor.u32 $0x6, v4;
	v33 =	vor.u32 $0x6, v2  }
0x81: {  	v59 =	vadd.s32 v33, v39;
	v57 =	vadd.f32 v38, v37;
	v58 =	vadd.f32 v34, v35  }
0x82: {  	v40 =	vadd.s32 v32, v39;
	v34 =	vor.u32 $0x6, v3  }
0x83: {  	v36 =	vor.u32 $0x6, v6;
	v41 =	vadd.s32 v34, v39;
	v37 =	vadd.f32 v57, v58  }
0x84: {  	v60 =	vadd.s32 v36, v39;
	v35 =	vor.u32 $0x6, v5  }
0x85: {  	v43 =	vld [tilespmem:s13+$0x580];
	v42 =	vadd.s32 v35, v39;
	[tilespmem:s13+$0x2C0] =	vst v37  }
0x86: {  	v38 =	vld.idx.msk [tilespmem:v59+s10+$0x0], $0xffff  }
0x87: {  	v61 =	vld.idx.msk [tilespmem:v40+s10+$0x0], $0xffff  }
0x88: {  	v62 =	vld.idx.msk [tilespmem:v41+s10+$0x0], $0xffff  }
0x89: {  	v45 =	vld.idx.msk [tilespmem:v60+s10+$0x0], $0xffff  }
0x8a: {  	s31 =	simm.s32 $0x7;
	v44 =	vld.idx.msk [tilespmem:v42+s10+$0x0], $0xffff  }
0x8b: {  	v63 =	vmov s31  }
0x8c: {  	v39 =	vor.u32 $0x7, v2;
	v41 =	vshrl.u32 v63, $0x3  }
0x8d: {  	v41 =	vshll.u32 v41, v1;
	v46 =	vadd.f32 v38, v61;
	v40 =	vadd.f32 v62, v43  }
0x8e: {  	v37 =	vor.u32 $0x7, v3;
	v42 =	vbroadcast v41, $0x0;
	v41 =	vor.u32 $0x7, v5  }
0x8f: {  	v38 =	vor.u32 $0x7, v4;
	v47 =	vadd.f32 v45, v44;
	v46 =	vadd.f32 v46, v40  }
0x90: {  	v44 =	vadd.s32 v37, v42;
	v45 =	vadd.s32 v39, v42;
	v43 =	vadd.s32 v41, v42  }
0x91: {  	s16 =	smov.u32 s13;
	s15 =	simm.s32 $0xF;
	s14 =	smov.u32 s13;
	v40 =	vor.u32 $0x7, v6;
	v47 =	vadd.f32 v47, v46;
	v46 =	vadd.s32 v38, v42  }
.LBB2_5:
0x92: {  	p0 =	sne.s32 s15, $0x4F  }
0x93: {  	s16 =	sadd.s32 $0x1600, s16;
	s17 =	smov.u32 s15;
	s15 =	sadd.s32 $0x8, s15  }
0x94: {  	v42 =	vadd.s32 v40, v42;
	[tilespmem:s14+$0x580] =	vst v47;
	v47 =	vld [tilespmem:s14+$0x840]  }
0x95: {  	v44 =	vld.idx.msk [tilespmem:v44+s10+$0x0], $0xffff  }
0x96: {  	v45 =	vld.idx.msk [tilespmem:v45+s10+$0x0], $0xffff  }
0x97: {  	v46 =	vld.idx.msk [tilespmem:v46+s10+$0x0], $0xffff  }
0x98: {  	v43 =	vld.idx.msk [tilespmem:v43+s10+$0x0], $0xffff  }
0x99: {  	v42 =	vld.idx.msk [tilespmem:v42+s10+$0x0], $0xffff  }
0x9a: {  	s18 =	sadd.s32 $0xFFFFFFF9, s17  }
0x9b: {  	v48 =	vmov s18;
	v44 =	vadd.f32 v44, v47  }
0x9c: {  	v47 =	vshrl.u32 v48, $0x3  }
0x9d: {  	v47 =	vshll.u32 v47, v1;
	v45 =	vadd.f32 v45, v46  }
0x9e: {  	v46 =	vbroadcast v47, $0x0  }
0x9f: {  	v42 =	vadd.f32 v42, v43;
	v43 =	vadd.f32 v45, v44  }
0xa0: {  	v44 =	vadd.s32 v3, v46;
	v45 =	vadd.s32 v4, v46;
	v47 =	vadd.s32 v2, v46  }
0xa1: {  	v48 =	vadd.s32 v5, v46;
	v42 =	vadd.f32 v42, v43;
	_ =	sdelay $0x1  }
0xa2: {  	[tilespmem:s14+$0x840] =	vst v42;
	s14 =	smov.u32 s16  }
0xa3: {  	v43 =	vadd.s32 v6, v46;
	v42 =	vld [tilespmem:s16+$0xFFFFF500]  }
0xa4: {  	v46 =	vld.idx.msk [tilespmem:v47+s10+$0x0], $0xffff  }
0xa5: {  	v44 =	vld.idx.msk [tilespmem:v44+s10+$0x0], $0xffff  }
0xa6: {  	v45 =	vld.idx.msk [tilespmem:v45+s10+$0x0], $0xffff  }
0xa7: {  	v47 =	vld.idx.msk [tilespmem:v48+s10+$0x0], $0xffff  }
0xa8: {  	s18 =	sadd.s32 $0xFFFFFFFA, s17;
	v43 =	vld.idx.msk [tilespmem:v43+s10+$0x0], $0xffff  }
0xa9: {  	v48 =	vmov s18  }
0xaa: {  	v48 =	vshrl.u32 v48, $0x3  }
0xab: {  	v42 =	vadd.f32 v44, v42;
	v44 =	vshll.u32 v48, v1  }
0xac: {  	v45 =	vadd.f32 v46, v45;
	v44 =	vbroadcast v44, $0x0;
	_ =	sdelay $0x1  }
0xad: {  	v43 =	vadd.f32 v43, v47;
	v42 =	vadd.f32 v45, v42;
	v45 =	vadd.s32 v7, v44  }
0xae: {  	v46 =	vadd.s32 v8, v44  }
0xaf: {  	v42 =	vadd.f32 v43, v42;
	v43 =	vadd.s32 v9, v44  }
0xb0: {  	v47 =	vadd.s32 v10, v44  }
0xb1: {  	v44 =	vadd.s32 v11, v44;
	[tilespmem:s16+$0xFFFFF500] =	vst v42;
	v42 =	vld [tilespmem:s16+$0xFFFFF7C0]  }
0xb2: {  	v45 =	vld.idx.msk [tilespmem:v45+s10+$0x0], $0xffff  }
0xb3: {  	v46 =	vld.idx.msk [tilespmem:v46+s10+$0x0], $0xffff  }
0xb4: {  	v43 =	vld.idx.msk [tilespmem:v43+s10+$0x0], $0xffff  }
0xb5: {  	v47 =	vld.idx.msk [tilespmem:v47+s10+$0x0], $0xffff  }
0xb6: {  	s18 =	sadd.s32 $0xFFFFFFFB, s17;
	v44 =	vld.idx.msk [tilespmem:v44+s10+$0x0], $0xffff  }
0xb7: {  	v48 =	vmov s18  }
0xb8: {  	v42 =	vadd.f32 v45, v42;
	v45 =	vshrl.u32 v48, $0x3  }
0xb9: {  	v45 =	vshll.u32 v45, v1  }
0xba: {  	v43 =	vadd.f32 v43, v46;
	v45 =	vbroadcast v45, $0x0;
	_ =	sdelay $0x1  }
0xbb: {  	v44 =	vadd.f32 v47, v44;
	v42 =	vadd.f32 v43, v42;
	v43 =	vadd.s32 v12, v45  }
0xbc: {  	v46 =	vadd.s32 v13, v45  }
0xbd: {  	v42 =	vadd.f32 v44, v42;
	v44 =	vadd.s32 v14, v45  }
0xbe: {  	v47 =	vadd.s32 v15, v45  }
0xbf: {  	v45 =	vadd.s32 v16, v45;
	[tilespmem:s16+$0xFFFFF7C0] =	vst v42;
	v42 =	vld [tilespmem:s16+$0xFFFFFA80]  }
0xc0: {  	v43 =	vld.idx.msk [tilespmem:v43+s10+$0x0], $0xffff  }
0xc1: {  	v46 =	vld.idx.msk [tilespmem:v46+s10+$0x0], $0xffff  }
0xc2: {  	v44 =	vld.idx.msk [tilespmem:v44+s10+$0x0], $0xffff  }
0xc3: {  	v47 =	vld.idx.msk [tilespmem:v47+s10+$0x0], $0xffff  }
0xc4: {  	s18 =	sadd.s32 $0xFFFFFFFC, s17;
	v45 =	vld.idx.msk [tilespmem:v45+s10+$0x0], $0xffff  }
0xc5: {  	v48 =	vmov s18  }
0xc6: {  	v42 =	vadd.f32 v43, v42;
	v43 =	vshrl.u32 v48, $0x3  }
0xc7: {  	v43 =	vshll.u32 v43, v1  }
0xc8: {  	v44 =	vadd.f32 v44, v46;
	v43 =	vbroadcast v43, $0x0;
	_ =	sdelay $0x1  }
0xc9: {  	v45 =	vadd.f32 v47, v45;
	v42 =	vadd.f32 v44, v42;
	v44 =	vadd.s32 v17, v43  }
0xca: {  	v46 =	vadd.s32 v18, v43  }
0xcb: {  	v42 =	vadd.f32 v45, v42;
	v45 =	vadd.s32 v19, v43  }
0xcc: {  	v47 =	vadd.s32 v20, v43  }
0xcd: {  	v43 =	vadd.s32 v21, v43;
	[tilespmem:s16+$0xFFFFFA80] =	vst v42;
	v42 =	vld [tilespmem:s16+$0xFFFFFD40]  }
0xce: {  	v44 =	vld.idx.msk [tilespmem:v44+s10+$0x0], $0xffff  }
0xcf: {  	v46 =	vld.idx.msk [tilespmem:v46+s10+$0x0], $0xffff  }
0xd0: {  	v45 =	vld.idx.msk [tilespmem:v45+s10+$0x0], $0xffff  }
0xd1: {  	v47 =	vld.idx.msk [tilespmem:v47+s10+$0x0], $0xffff  }
0xd2: {  	s18 =	sadd.s32 $0xFFFFFFFD, s17;
	v43 =	vld.idx.msk [tilespmem:v43+s10+$0x0], $0xffff  }
0xd3: {  	v48 =	vmov s18  }
0xd4: {  	v48 =	vshrl.u32 v48, $0x3  }
0xd5: {  	v42 =	vadd.f32 v44, v42;
	v44 =	vshll.u32 v48, v1  }
0xd6: {  	v44 =	vbroadcast v44, $0x0;
	v45 =	vadd.f32 v45, v46;
	_ =	sdelay $0x1  }
0xd7: {  	v43 =	vadd.f32 v47, v43;
	v42 =	vadd.f32 v45, v42;
	v45 =	vadd.s32 v22, v44  }
0xd8: {  	v46 =	vadd.s32 v23, v44  }
0xd9: {  	v42 =	vadd.f32 v43, v42;
	v43 =	vadd.s32 v24, v44  }
0xda: {  	v47 =	vadd.s32 v25, v44  }
0xdb: {  	v44 =	vadd.s32 v26, v44;
	[tilespmem:s16+$0xFFFFFD40] =	vst v42;
	v42 =	vld [tilespmem:s16+$0x0]  }
0xdc: {  	v45 =	vld.idx.msk [tilespmem:v45+s10+$0x0], $0xffff  }
0xdd: {  	v46 =	vld.idx.msk [tilespmem:v46+s10+$0x0], $0xffff  }
0xde: {  	v43 =	vld.idx.msk [tilespmem:v43+s10+$0x0], $0xffff  }
0xdf: {  	v47 =	vld.idx.msk [tilespmem:v47+s10+$0x0], $0xffff  }
0xe0: {  	s18 =	sadd.s32 $0xFFFFFFFE, s17;
	v44 =	vld.idx.msk [tilespmem:v44+s10+$0x0], $0xffff  }
0xe1: {  	v48 =	vmov s18  }
0xe2: {  	v48 =	vshrl.u32 v48, $0x3  }
0xe3: {  	v48 =	vshll.u32 v48, v1  }
0xe4: {  	v42 =	vadd.f32 v45, v42;
	v45 =	vbroadcast v48, $0x0;
	v43 =	vadd.f32 v43, v46;
	_ =	sdelay $0x1  }
0xe5: {  	v44 =	vadd.f32 v47, v44;
	v42 =	vadd.f32 v43, v42;
	v43 =	vadd.s32 v28, v45  }
0xe6: {  	v46 =	vadd.s32 v27, v45  }
0xe7: {  	v42 =	vadd.f32 v44, v42;
	v44 =	vadd.s32 v29, v45  }
0xe8: {  	v47 =	vadd.s32 v30, v45  }
0xe9: {  	v45 =	vadd.s32 v31, v45;
	[tilespmem:s16+$0x0] =	vst v42;
	v42 =	vld [tilespmem:s16+$0x2C0]  }
0xea: {  	v43 =	vld.idx.msk [tilespmem:v43+s10+$0x0], $0xffff  }
0xeb: {  	v46 =	vld.idx.msk [tilespmem:v46+s10+$0x0], $0xffff  }
0xec: {  	v44 =	vld.idx.msk [tilespmem:v44+s10+$0x0], $0xffff  }
0xed: {  	v47 =	vld.idx.msk [tilespmem:v47+s10+$0x0], $0xffff  }
0xee: {  	s18 =	sadd.s32 $0xFFFFFFFF, s17;
	v45 =	vld.idx.msk [tilespmem:v45+s10+$0x0], $0xffff  }
0xef: {  	v48 =	vmov s18  }
0xf0: {  	v48 =	vshrl.u32 v48, $0x3  }
0xf1: {  	v42 =	vadd.f32 v46, v42;
	v46 =	vshll.u32 v48, v1  }
0xf2: {  	v43 =	vadd.f32 v43, v44;
	v44 =	vbroadcast v46, $0x0;
	_ =	sdelay $0x1  }
0xf3: {  	v45 =	vadd.f32 v45, v47;
	v42 =	vadd.f32 v43, v42;
	v43 =	vadd.s32 v33, v44  }
0xf4: {  	v46 =	vadd.s32 v32, v44  }
0xf5: {  	v42 =	vadd.f32 v45, v42;
	v45 =	vadd.s32 v34, v44  }
0xf6: {  	v47 =	vadd.s32 v35, v44  }
0xf7: {  	v44 =	vadd.s32 v36, v44;
	[tilespmem:s16+$0x2C0] =	vst v42;
	v42 =	vld [tilespmem:s16+$0x580]  }
0xf8: {  	v43 =	vld.idx.msk [tilespmem:v43+s10+$0x0], $0xffff  }
0xf9: {  	v46 =	vld.idx.msk [tilespmem:v46+s10+$0x0], $0xffff  }
0xfa: {  	v45 =	vld.idx.msk [tilespmem:v45+s10+$0x0], $0xffff  }
0xfb: {  	v47 =	vld.idx.msk [tilespmem:v47+s10+$0x0], $0xffff  }
0xfc: {  	v44 =	vld.idx.msk [tilespmem:v44+s10+$0x0], $0xffff  }
0xfd: {  	v48 =	vmov s17  }
0xfe: {  	v48 =	vshrl.u32 v48, $0x3  }
0xff: {  	v43 =	vadd.f32 v43, v46;
	v46 =	vshll.u32 v48, v1  }
.Ltmp1:
0x100: {  	v45 =	vadd.f32 v45, v42;
	v42 =	vbroadcast v46, $0x0;
	(pc) =	sbr.rel @p0 .LBB2_5-.Ltmp1, $4  }
0x101: {  	_ = 	snop  }
0x102: {  	v46 =	vadd.f32 v44, v47;
	v47 =	vadd.f32 v43, v45;
	v44 =	vadd.s32 v37, v42  }
0x103: {  	v45 =	vadd.s32 v39, v42;
	v43 =	vadd.s32 v41, v42  }
0x104: {  	v47 =	vadd.f32 v46, v47;
	v46 =	vadd.s32 v38, v42  }
0x105: {  	_ =	sdelay $0x2  }
0x106: {  	v2 =	vld [tilespmem:s14+$0x840];
	v3 =	vadd.s32 v40, v42;
	[tilespmem:s14+$0x580] =	vst v47  }
0x107: {  	v4 =	vld.idx.msk [tilespmem:v44+s10+$0x0], $0xffff  }
0x108: {  	v5 =	vld.idx.msk [tilespmem:v45+s10+$0x0], $0xffff  }
0x109: {  	v6 =	vld.idx.msk [tilespmem:v46+s10+$0x0], $0xffff  }
0x10a: {  	v7 =	vld.idx.msk [tilespmem:v43+s10+$0x0], $0xffff  }
0x10b: {  	v3 =	vld.idx.msk [tilespmem:v3+s10+$0x0], $0xffff;
	_ =	sdelay $0x2  }
0x10c: {  	s12 =	sadd.s32 $0x1, s12;
	v2 =	vadd.f32 v4, v2;
	v63 =	vadd.f32 v5, v6  }
0x10d: {  	p0 =	sne.s32 s12, $0x2C  }
.Ltmp2:
0x10e: {  	v2 =	vadd.f32 v63, v2;
	v3 =	vadd.f32 v3, v7;
	(pc) =	sbr.rel @p0 .LBB2_4-.Ltmp2, $3  }
0x10f: {  	_ = 	snop  }
0x110: {  	v2 =	vadd.f32 v3, v2;
	_ =	sdelay $0x1  }
0x111: {  	s13 =	sadd.s32 $0x10, s13;
	[tilespmem:s14+$0x840] =	vst v2  }
0x112: {  	s12 =	simm.s32 $0x9798  }
0x113: {  	s13 =	simm.s32 $0x15C;
	s15 =	sadd.s32 $0x0, s6;
	s14 =	simm.s32 $0x9A58  }
.LBB2_8:
0x114: {  	[hbm4b:s15+s2] =	stream.linear.scatter [tilespmem:s12], [sflag:$0x1], $0x2B8, $0x38;
	[tilespmem:$0x17398] =	vst v63  }
0x115: {  	s15 =	smov.u32 s13;
	s12 =	smov.u32 s14;
	p0 =	sne.s32 s13, $0x6B64  }
.Ltmp3:
0x116: {  	s13 =	sadd.s32 $0x15C, s13;
	(pc) =	sbr.rel @p0 .LBB2_8-.Ltmp3, $2  }
0x117: {  	_ =	sdelay $0x2  }
0x118: {  	s14 =	sadd.s32 $0x2C0, s14;
	s15 =	sadd.s32 s15, s6  }
0x119: {  	s11 =	sadd.s32 $0x1, s11  }
0x11a: {  	p0 =	sne.s32 s11, s7  }
.Ltmp4:
0x11b: {  	_ = 	snop;
	(pc) =	sbr.rel @p0 .LBB2_1-.Ltmp4, $4  }
0x11c: {  	[hbm4b:s15+s2] =	stream.linear.scatter [tilespmem:s12], [sflag:$0x1], $0x2B8, $0x38;
	[tilespmem:$0x17398] =	vst v63  }
0x11d: {  	_ =	swait.ge [sflag:s9], $0xD980  }
0x11e: {  	[sflag:s9] =	ssyncset.done $0x0  }
0x11f: {  	[sflag:s9] =	ssyncadd.s32 $0xFFFF2680  }
0x120: {  	_ =	sfence.sel $0x180000  }
0x121: {  	[bflag:$0x0] =	sbarrier.arrive $0xFFFF  }
0x122: {  	p0 =	sne.s32 s0, $0x0;
	_ =	strace $0x90000047  }
0x123: {  	s0 =	sadd.s32 @!p0 $0x100000, s1;
	[bflag:$0x2] =	sbarrier.arrive $0xFFFF  }
0x124: {  	[sflag:s0] =	ssyncadd.tile.s32 @!p0 $0x1;
	_ =	shalt  }
.Lfunc_end2:
_tile_overlayer_lowered:
.L_overlay_start_2:
0x125: {  	(tag) =	ssettag $0x2  }
0x126: {  	s0 =	rddreg [dreg:$0x0];
	s2 =	stileid.u32  }
0x127: {  	s1 =	rddreg [dreg:$0x1];
	p0 =	sne.s32 s2, $0x0  }
0x128: {  	s3 =	rddreg [dreg:$0x2];
	[bflag:$0x3] =	sbarrier.arrive $0xFFFF;
	s2 =	simm.s32 @!p0 $0x1C01  }
0x129: {  	[timem:s3], [sflag:s2] =	dma.local @!p0 [hbm:s0], s1  }
0x12a: {  	s0 =	simm.s32 @!p0 $0x1  }
0x12b: {  	_ =	swait.ge @!p0 [sflag:s0], s1  }
0x12c: {  	s1 =	ssub.s32 @!p0 $0x0, s1;
	[sflag:s0] =	ssyncset.done @!p0 $0x0  }
0x12d: {  	[sflag:s0] =	ssyncadd.s32 @!p0 s1  }
0x12e: {  	[bflag:$0x3] =	sbarrier.arrive $0xFFFF  }
0x12f: {  	_ =	shalt  }

</sc_bundles>
